<compile_context>
chip_gen: v7x
topology: tpu7x:2x2x1
jax: 0.10.2.dev20260603
libtpu: 0.0.44.dev20260713+nightly
codegen_flags: <defaults>
</compile_context>

<pallas_src>
import functools

import jax
import jax.numpy as jnp
from jax import lax
from jax.experimental import pallas as pl
from jax.experimental.pallas import tpu as pltpu
from jax.experimental.pallas import tpu_sc as plsc

BATCH = 16384
HIDDEN = 32
NC = 2
NS = 16
NW = NC * NS
B_PER_W = BATCH // NW
CHUNK = 128
N_CHUNKS = B_PER_W // CHUNK


def _bpr_body(rows_u_h, rows_i_h, users_h, items_h, bias2_h, out_h,
              u2, i2, uidx, iidx, ubv, ibv, outv, sem):
    wid = lax.axis_index("s") * NC + lax.axis_index("c")
    base = wid * B_PER_W

    pltpu.sync_copy(users_h.at[pl.ds(base, B_PER_W)], uidx)
    pltpu.sync_copy(items_h.at[pl.ds(base, B_PER_W)], iidx)

    descs = [
        pltpu.make_async_copy(rows_u_h.at[pl.ds(base, B_PER_W), :], u2, sem),
        pltpu.make_async_copy(rows_i_h.at[pl.ds(base, B_PER_W), :], i2, sem),
    ]
    for c in range(N_CHUNKS):
        descs.append(pltpu.make_async_copy(
            bias2_h.at[0].at[uidx.at[pl.ds(c * CHUNK, CHUNK)]],
            ubv.at[pl.ds(c * CHUNK, CHUNK)], sem))
        descs.append(pltpu.make_async_copy(
            bias2_h.at[1].at[iidx.at[pl.ds(c * CHUNK, CHUNK)]],
            ibv.at[pl.ds(c * CHUNK, CHUNK)], sem))
    for d in descs:
        d.start()
    for d in descs:
        d.wait()

    lane = lax.iota(jnp.int32, 16)

    def dot_round(k, carry):
        rowv = k * 16 + lane
        acc0 = ubv[pl.ds(k * 16, 16)]
        acc1 = ibv[pl.ds(k * 16, 16)]
        for d in range(0, HIDDEN, 2):
            c0 = jnp.full((16,), d, jnp.int32)
            c1 = jnp.full((16,), d + 1, jnp.int32)
            acc0 += (plsc.load_gather(u2, [rowv, c0])
                     * plsc.load_gather(i2, [rowv, c0]))
            acc1 += (plsc.load_gather(u2, [rowv, c1])
                     * plsc.load_gather(i2, [rowv, c1]))
        outv[pl.ds(k * 16, 16)] = acc0 + acc1
        return carry

    lax.fori_loop(0, B_PER_W // 16, dot_round, 0, unroll=1)

    pltpu.sync_copy(outv, out_h.at[pl.ds(base, B_PER_W)])


@jax.jit
def _bpr_sc(rows_u, rows_i, users, items, bias2):
    mesh = plsc.VectorSubcoreMesh(core_axis_name="c", subcore_axis_name="s",
                                  num_cores=NC, num_subcores=NS)
    run = functools.partial(
        pl.kernel,
        out_type=jax.ShapeDtypeStruct((BATCH,), jnp.float32),
        mesh=mesh,
        compiler_params=pltpu.CompilerParams(needs_layout_passes=False,
                                             use_tc_tiling_on_sc=False),
        scratch_types=[
            pltpu.VMEM((B_PER_W, HIDDEN), jnp.float32),
            pltpu.VMEM((B_PER_W, HIDDEN), jnp.float32),
            pltpu.VMEM((B_PER_W,), jnp.int32),
            pltpu.VMEM((B_PER_W,), jnp.int32),
            pltpu.VMEM((B_PER_W,), jnp.float32),
            pltpu.VMEM((B_PER_W,), jnp.float32),
            pltpu.VMEM((B_PER_W,), jnp.float32),
            pltpu.SemaphoreType.DMA,
        ],
    )(_bpr_body)
    return run(rows_u, rows_i, users, items, bias2)


def kernel(users, items, user_emb, item_emb, user_bias, item_bias):
    users = users.astype(jnp.int32)
    items = items.astype(jnp.int32)
    rows_u = jnp.take(user_emb, users, axis=0, mode="clip")
    rows_i = jnp.take(item_emb, items, axis=0, mode="clip")
    bias2 = jnp.concatenate([user_bias.T, item_bias.T], axis=0)
    return _bpr_sc(rows_u, rows_i, users, items, bias2)

# --- scband reference (transcript-rebuilt; emitter-appended) ---
"""Pipeline reference for scband-bpr-32341103739247 (READ-ONLY COPY).

The authoritative reference and input builder live on the scoring server;
editing this copy changes nothing except your own understanding.
"""

import jax, jax.numpy as jnp
import numpy as np

N_USERS = 1000000
N_ITEMS = 1000000
HIDDEN_DIM = 32
BATCH = 16384


def setup_inputs(seed: int = 0) -> dict:
    key = jax.random.key(seed)
    k1, k2, k3, k4, k5, k6 = jax.random.split(key, 6)
    users = jax.random.randint(k1, (BATCH,), 0, N_USERS, dtype=jnp.int64 if jax.config.jax_enable_x64 else jnp.int32)
    items = jax.random.randint(k2, (BATCH,), 0, N_ITEMS, dtype=jnp.int64 if jax.config.jax_enable_x64 else jnp.int32)
    # xavier_uniform init for embedding tables (matches nn.init.xavier_uniform_)
    bound_u = float(np.sqrt(6.0 / (N_USERS + HIDDEN_DIM)))
    user_emb = jax.random.uniform(k3, (N_USERS, HIDDEN_DIM), minval=-bound_u, maxval=bound_u, dtype=jnp.float32)
    bound_i = float(np.sqrt(6.0 / (N_ITEMS + HIDDEN_DIM)))
    item_emb = jax.random.uniform(k4, (N_ITEMS, HIDDEN_DIM), minval=-bound_i, maxval=bound_i, dtype=jnp.float32)
    # bias embeddings keep torch default N(0,1) init
    user_bias = jax.random.normal(k5, (N_USERS, 1), dtype=jnp.float32)
    item_bias = jax.random.normal(k6, (N_ITEMS, 1), dtype=jnp.float32)
    return {
        "users": users,
        "items": items,
        "user_emb": user_emb,
        "item_emb": item_emb,
        "user_bias": user_bias,
        "item_bias": item_bias,
    }


def reference(users, items, user_emb, item_emb, user_bias, item_bias):
    # BPR.forward with rank_all=False and len(items) == len(users)
    ue = jnp.take(user_emb, users, axis=0)            # [B, d] gather
    ie = jnp.take(item_emb, items, axis=0)            # [B, d] gather
    pred = jnp.sum(ue * ie, axis=-1)                  # [B]
    i_bias = jnp.take(item_bias, items, axis=0)       # [B, 1]
    pred = pred + jnp.squeeze(i_bias, axis=-1)
    u_bias = jnp.take(user_bias, users, axis=0)       # [B, 1]
    pred = pred + jnp.squeeze(u_bias, axis=-1)
    return pred

if __name__ == "__main__":
    import jax
    _d = setup_inputs()
    print(jax.jit(kernel)(*tuple(_d.values())))

</pallas_src>

<mosaic_0001>
#map = affine_map<(d0, d1) -> (0, 0)>
#map1 = affine_map<(d0, d1) -> (0)>
module attributes {stable_mosaic.version = 14 : i64} {
  func.func @_bpr_body(%arg0: i32, %arg1: i32, %arg2: memref<16384x32xf32, #tpu.memory_space<hbm>>, %arg3: memref<16384x32xf32, #tpu.memory_space<hbm>>, %arg4: memref<16384xi32, #tpu.memory_space<hbm>>, %arg5: memref<16384xi32, #tpu.memory_space<hbm>>, %arg6: memref<2x1000000xf32, #tpu.memory_space<hbm>>, %arg7: memref<16384xf32, #tpu.memory_space<hbm>>, %arg8: memref<512x32xf32, #tpu.memory_space<vmem>>, %arg9: memref<512x32xf32, #tpu.memory_space<vmem>>, %arg10: memref<512xi32, #tpu.memory_space<vmem>>, %arg11: memref<512xi32, #tpu.memory_space<vmem>>, %arg12: memref<512xf32, #tpu.memory_space<vmem>>, %arg13: memref<512xf32, #tpu.memory_space<vmem>>, %arg14: memref<512xf32, #tpu.memory_space<vmem>>, %arg15: memref<!tpu.dma_semaphore, #tpu.memory_space<semaphore_mem>>) attributes {dimension_semantics = [#tpu.dimension_semantics<core_parallel>, #tpu.dimension_semantics<subcore_parallel>], iteration_bounds = array<i64: 2, 16>, scalar_prefetch = 0 : i64, scratch_operands = 8 : i64, tpu.core_type = #tpu.core_type<sc_vector_subcore>, window_params = [{transform_indices = #map}, {transform_indices = #map}, {transform_indices = #map1}, {transform_indices = #map1}, {transform_indices = #map}, {transform_indices = #map1}]} {
    %mul3A = arith.constant 2 : i32
    %mul3A_0 = arith.muli %arg1, %mul3A : i32
    %add3A = arith.addi %mul3A_0, %arg0 : i32
    %mul3A_1 = arith.constant 512 : i32
    %mul3A_2 = arith.muli %add3A, %mul3A_1 : i32
    "tpu.region"() ({
      %run_scoped3A = tpu.sem_alloc : memref<!tpu.dma_semaphore, #tpu.memory_space<semaphore_mem>>
      %dma_start3A_182 = tpu.memref_slice %arg4[%mul3A_2] : memref<16384xi32, #tpu.memory_space<hbm>> -> memref<512xi32, #tpu.memory_space<hbm>>
      %dma_start3A_183 = tpu.memref_slice %arg4[%mul3A_2] : memref<16384xi32, #tpu.memory_space<hbm>> -> memref<512xi32, #tpu.memory_space<hbm>>
      tpu.enqueue_dma source(%dma_start3A_183 : memref<512xi32, #tpu.memory_space<hbm>>) target(%arg10 : memref<512xi32, #tpu.memory_space<vmem>>) target_semaphore(%run_scoped3A : memref<!tpu.dma_semaphore, #tpu.memory_space<semaphore_mem>>)
      %dma_wait3A_184 = tpu.memref_slice %arg4[%mul3A_2] : memref<16384xi32, #tpu.memory_space<hbm>> -> memref<512xi32, #tpu.memory_space<hbm>>
      %dma_wait3A_185 = tpu.memref_slice %arg4[%mul3A_2] : memref<16384xi32, #tpu.memory_space<hbm>> -> memref<512xi32, #tpu.memory_space<hbm>>
      tpu.wait_dma2 semaphore(%run_scoped3A : memref<!tpu.dma_semaphore, #tpu.memory_space<semaphore_mem>>) src(%dma_wait3A_185 : memref<512xi32, #tpu.memory_space<hbm>>) dst(%arg10 : memref<512xi32, #tpu.memory_space<vmem>>)
      tpu.yield
    }) : () -> ()
    "tpu.region"() ({
      %run_scoped3A = tpu.sem_alloc : memref<!tpu.dma_semaphore, #tpu.memory_space<semaphore_mem>>
      %dma_start3A_182 = tpu.memref_slice %arg5[%mul3A_2] : memref<16384xi32, #tpu.memory_space<hbm>> -> memref<512xi32, #tpu.memory_space<hbm>>
      %dma_start3A_183 = tpu.memref_slice %arg5[%mul3A_2] : memref<16384xi32, #tpu.memory_space<hbm>> -> memref<512xi32, #tpu.memory_space<hbm>>
      tpu.enqueue_dma source(%dma_start3A_183 : memref<512xi32, #tpu.memory_space<hbm>>) target(%arg11 : memref<512xi32, #tpu.memory_space<vmem>>) target_semaphore(%run_scoped3A : memref<!tpu.dma_semaphore, #tpu.memory_space<semaphore_mem>>)
      %dma_wait3A_184 = tpu.memref_slice %arg5[%mul3A_2] : memref<16384xi32, #tpu.memory_space<hbm>> -> memref<512xi32, #tpu.memory_space<hbm>>
      %dma_wait3A_185 = tpu.memref_slice %arg5[%mul3A_2] : memref<16384xi32, #tpu.memory_space<hbm>> -> memref<512xi32, #tpu.memory_space<hbm>>
      tpu.wait_dma2 semaphore(%run_scoped3A : memref<!tpu.dma_semaphore, #tpu.memory_space<semaphore_mem>>) src(%dma_wait3A_185 : memref<512xi32, #tpu.memory_space<hbm>>) dst(%arg11 : memref<512xi32, #tpu.memory_space<vmem>>)
      tpu.yield
    }) : () -> ()
    %dma_start3A = arith.constant 0 : i32
    %dma_start3A_3 = tpu.memref_slice %arg2[%mul3A_2, %dma_start3A] : memref<16384x32xf32, #tpu.memory_space<hbm>> -> memref<512x32xf32, #tpu.memory_space<hbm>>
    %dma_start3A_4 = arith.constant 0 : i32
    %dma_start3A_5 = tpu.memref_slice %arg2[%mul3A_2, %dma_start3A_4] : memref<16384x32xf32, #tpu.memory_space<hbm>> -> memref<512x32xf32, #tpu.memory_space<hbm>>
    tpu.enqueue_dma source(%dma_start3A_5 : memref<512x32xf32, #tpu.memory_space<hbm>>) target(%arg8 : memref<512x32xf32, #tpu.memory_space<vmem>>) target_semaphore(%arg15 : memref<!tpu.dma_semaphore, #tpu.memory_space<semaphore_mem>>)
    %dma_start3A_6 = arith.constant 0 : i32
    %dma_start3A_7 = tpu.memref_slice %arg3[%mul3A_2, %dma_start3A_6] : memref<16384x32xf32, #tpu.memory_space<hbm>> -> memref<512x32xf32, #tpu.memory_space<hbm>>
    %dma_start3A_8 = arith.constant 0 : i32
    %dma_start3A_9 = tpu.memref_slice %arg3[%mul3A_2, %dma_start3A_8] : memref<16384x32xf32, #tpu.memory_space<hbm>> -> memref<512x32xf32, #tpu.memory_space<hbm>>
    tpu.enqueue_dma source(%dma_start3A_9 : memref<512x32xf32, #tpu.memory_space<hbm>>) target(%arg9 : memref<512x32xf32, #tpu.memory_space<vmem>>) target_semaphore(%arg15 : memref<!tpu.dma_semaphore, #tpu.memory_space<semaphore_mem>>)
    %dma_start3A_10 = arith.constant 0 : i32
    %dma_start3A_11 = arith.constant 0 : i32
    %dma_start3A_12 = tpu.memref_slice %arg12[%dma_start3A_11] : memref<512xf32, #tpu.memory_space<vmem>> -> memref<128xf32, #tpu.memory_space<vmem>>
    %dma_start3A_13 = arith.constant 0 : i32
    %dma_start3A_14 = tpu.memref_slice %arg10[%dma_start3A_13] : memref<512xi32, #tpu.memory_space<vmem>> -> memref<128xi32, #tpu.memory_space<vmem>>
    %dma_start3A_15 = arith.constant 0 : i32
    %dma_start3A_16 = tpu.memref_slice %arg6[%dma_start3A_10, %dma_start3A_15] : memref<2x1000000xf32, #tpu.memory_space<hbm>> -> memref<1x1000000xf32, #tpu.memory_space<hbm>>
    %dma_start3A_17 = tpu.memref_squeeze %dma_start3A_16 : memref<1x1000000xf32, #tpu.memory_space<hbm>> -> memref<1000000xf32, #tpu.memory_space<hbm>>
    %dma_start3A_18 = arith.constant 0 : i32
    %dma_start3A_19 = tpu.memref_slice %dma_start3A_17[%dma_start3A_18] : memref<1000000xf32, #tpu.memory_space<hbm>> -> memref<1000000xf32, #tpu.memory_space<hbm>>
    tpu.enqueue_indirect_dma source(%dma_start3A_19 : memref<1000000xf32, #tpu.memory_space<hbm>>) target(%dma_start3A_12 : memref<128xf32, #tpu.memory_space<vmem>>) offsets(%dma_start3A_14 : memref<128xi32, #tpu.memory_space<vmem>>) semaphore(%arg15 : memref<!tpu.dma_semaphore, #tpu.memory_space<semaphore_mem>>)
    %dma_start3A_20 = arith.constant 1 : i32
    %dma_start3A_21 = arith.constant 0 : i32
    %dma_start3A_22 = tpu.memref_slice %arg13[%dma_start3A_21] : memref<512xf32, #tpu.memory_space<vmem>> -> memref<128xf32, #tpu.memory_space<vmem>>
    %dma_start3A_23 = arith.constant 0 : i32
    %dma_start3A_24 = tpu.memref_slice %arg11[%dma_start3A_23] : memref<512xi32, #tpu.memory_space<vmem>> -> memref<128xi32, #tpu.memory_space<vmem>>
    %dma_start3A_25 = arith.constant 0 : i32
    %dma_start3A_26 = tpu.memref_slice %arg6[%dma_start3A_20, %dma_start3A_25] : memref<2x1000000xf32, #tpu.memory_space<hbm>> -> memref<1x1000000xf32, #tpu.memory_space<hbm>>
    %dma_start3A_27 = tpu.memref_squeeze %dma_start3A_26 : memref<1x1000000xf32, #tpu.memory_space<hbm>> -> memref<1000000xf32, #tpu.memory_space<hbm>>
    %dma_start3A_28 = arith.constant 0 : i32
    %dma_start3A_29 = tpu.memref_slice %dma_start3A_27[%dma_start3A_28] : memref<1000000xf32, #tpu.memory_space<hbm>> -> memref<1000000xf32, #tpu.memory_space<hbm>>
    tpu.enqueue_indirect_dma source(%dma_start3A_29 : memref<1000000xf32, #tpu.memory_space<hbm>>) target(%dma_start3A_22 : memref<128xf32, #tpu.memory_space<vmem>>) offsets(%dma_start3A_24 : memref<128xi32, #tpu.memory_space<vmem>>) semaphore(%arg15 : memref<!tpu.dma_semaphore, #tpu.memory_space<semaphore_mem>>)
    %dma_start3A_30 = arith.constant 0 : i32
    %dma_start3A_31 = arith.constant 128 : i32
    %dma_start3A_32 = tpu.memref_slice %arg12[%dma_start3A_31] : memref<512xf32, #tpu.memory_space<vmem>> -> memref<128xf32, #tpu.memory_space<vmem>>
    %dma_start3A_33 = arith.constant 128 : i32
    %dma_start3A_34 = tpu.memref_slice %arg10[%dma_start3A_33] : memref<512xi32, #tpu.memory_space<vmem>> -> memref<128xi32, #tpu.memory_space<vmem>>
    %dma_start3A_35 = arith.constant 0 : i32
    %dma_start3A_36 = tpu.memref_slice %arg6[%dma_start3A_30, %dma_start3A_35] : memref<2x1000000xf32, #tpu.memory_space<hbm>> -> memref<1x1000000xf32, #tpu.memory_space<hbm>>
    %dma_start3A_37 = tpu.memref_squeeze %dma_start3A_36 : memref<1x1000000xf32, #tpu.memory_space<hbm>> -> memref<1000000xf32, #tpu.memory_space<hbm>>
    %dma_start3A_38 = arith.constant 0 : i32
    %dma_start3A_39 = tpu.memref_slice %dma_start3A_37[%dma_start3A_38] : memref<1000000xf32, #tpu.memory_space<hbm>> -> memref<1000000xf32, #tpu.memory_space<hbm>>
    tpu.enqueue_indirect_dma source(%dma_start3A_39 : memref<1000000xf32, #tpu.memory_space<hbm>>) target(%dma_start3A_32 : memref<128xf32, #tpu.memory_space<vmem>>) offsets(%dma_start3A_34 : memref<128xi32, #tpu.memory_space<vmem>>) semaphore(%arg15 : memref<!tpu.dma_semaphore, #tpu.memory_space<semaphore_mem>>)
    %dma_start3A_40 = arith.constant 1 : i32
    %dma_start3A_41 = arith.constant 128 : i32
    %dma_start3A_42 = tpu.memref_slice %arg13[%dma_start3A_41] : memref<512xf32, #tpu.memory_space<vmem>> -> memref<128xf32, #tpu.memory_space<vmem>>
    %dma_start3A_43 = arith.constant 128 : i32
    %dma_start3A_44 = tpu.memref_slice %arg11[%dma_start3A_43] : memref<512xi32, #tpu.memory_space<vmem>> -> memref<128xi32, #tpu.memory_space<vmem>>
    %dma_start3A_45 = arith.constant 0 : i32
    %dma_start3A_46 = tpu.memref_slice %arg6[%dma_start3A_40, %dma_start3A_45] : memref<2x1000000xf32, #tpu.memory_space<hbm>> -> memref<1x1000000xf32, #tpu.memory_space<hbm>>
    %dma_start3A_47 = tpu.memref_squeeze %dma_start3A_46 : memref<1x1000000xf32, #tpu.memory_space<hbm>> -> memref<1000000xf32, #tpu.memory_space<hbm>>
    %dma_start3A_48 = arith.constant 0 : i32
    %dma_start3A_49 = tpu.memref_slice %dma_start3A_47[%dma_start3A_48] : memref<1000000xf32, #tpu.memory_space<hbm>> -> memref<1000000xf32, #tpu.memory_space<hbm>>
    tpu.enqueue_indirect_dma source(%dma_start3A_49 : memref<1000000xf32, #tpu.memory_space<hbm>>) target(%dma_start3A_42 : memref<128xf32, #tpu.memory_space<vmem>>) offsets(%dma_start3A_44 : memref<128xi32, #tpu.memory_space<vmem>>) semaphore(%arg15 : memref<!tpu.dma_semaphore, #tpu.memory_space<semaphore_mem>>)
    %dma_start3A_50 = arith.constant 0 : i32
    %dma_start3A_51 = arith.constant 256 : i32
    %dma_start3A_52 = tpu.memref_slice %arg12[%dma_start3A_51] : memref<512xf32, #tpu.memory_space<vmem>> -> memref<128xf32, #tpu.memory_space<vmem>>
    %dma_start3A_53 = arith.constant 256 : i32
    %dma_start3A_54 = tpu.memref_slice %arg10[%dma_start3A_53] : memref<512xi32, #tpu.memory_space<vmem>> -> memref<128xi32, #tpu.memory_space<vmem>>
    %dma_start3A_55 = arith.constant 0 : i32
    %dma_start3A_56 = tpu.memref_slice %arg6[%dma_start3A_50, %dma_start3A_55] : memref<2x1000000xf32, #tpu.memory_space<hbm>> -> memref<1x1000000xf32, #tpu.memory_space<hbm>>
    %dma_start3A_57 = tpu.memref_squeeze %dma_start3A_56 : memref<1x1000000xf32, #tpu.memory_space<hbm>> -> memref<1000000xf32, #tpu.memory_space<hbm>>
    %dma_start3A_58 = arith.constant 0 : i32
    %dma_start3A_59 = tpu.memref_slice %dma_start3A_57[%dma_start3A_58] : memref<1000000xf32, #tpu.memory_space<hbm>> -> memref<1000000xf32, #tpu.memory_space<hbm>>
    tpu.enqueue_indirect_dma source(%dma_start3A_59 : memref<1000000xf32, #tpu.memory_space<hbm>>) target(%dma_start3A_52 : memref<128xf32, #tpu.memory_space<vmem>>) offsets(%dma_start3A_54 : memref<128xi32, #tpu.memory_space<vmem>>) semaphore(%arg15 : memref<!tpu.dma_semaphore, #tpu.memory_space<semaphore_mem>>)
    %dma_start3A_60 = arith.constant 1 : i32
    %dma_start3A_61 = arith.constant 256 : i32
    %dma_start3A_62 = tpu.memref_slice %arg13[%dma_start3A_61] : memref<512xf32, #tpu.memory_space<vmem>> -> memref<128xf32, #tpu.memory_space<vmem>>
    %dma_start3A_63 = arith.constant 256 : i32
    %dma_start3A_64 = tpu.memref_slice %arg11[%dma_start3A_63] : memref<512xi32, #tpu.memory_space<vmem>> -> memref<128xi32, #tpu.memory_space<vmem>>
    %dma_start3A_65 = arith.constant 0 : i32
    %dma_start3A_66 = tpu.memref_slice %arg6[%dma_start3A_60, %dma_start3A_65] : memref<2x1000000xf32, #tpu.memory_space<hbm>> -> memref<1x1000000xf32, #tpu.memory_space<hbm>>
    %dma_start3A_67 = tpu.memref_squeeze %dma_start3A_66 : memref<1x1000000xf32, #tpu.memory_space<hbm>> -> memref<1000000xf32, #tpu.memory_space<hbm>>
    %dma_start3A_68 = arith.constant 0 : i32
    %dma_start3A_69 = tpu.memref_slice %dma_start3A_67[%dma_start3A_68] : memref<1000000xf32, #tpu.memory_space<hbm>> -> memref<1000000xf32, #tpu.memory_space<hbm>>
    tpu.enqueue_indirect_dma source(%dma_start3A_69 : memref<1000000xf32, #tpu.memory_space<hbm>>) target(%dma_start3A_62 : memref<128xf32, #tpu.memory_space<vmem>>) offsets(%dma_start3A_64 : memref<128xi32, #tpu.memory_space<vmem>>) semaphore(%arg15 : memref<!tpu.dma_semaphore, #tpu.memory_space<semaphore_mem>>)
    %dma_start3A_70 = arith.constant 0 : i32
    %dma_start3A_71 = arith.constant 384 : i32
    %dma_start3A_72 = tpu.memref_slice %arg12[%dma_start3A_71] : memref<512xf32, #tpu.memory_space<vmem>> -> memref<128xf32, #tpu.memory_space<vmem>>
    %dma_start3A_73 = arith.constant 384 : i32
    %dma_start3A_74 = tpu.memref_slice %arg10[%dma_start3A_73] : memref<512xi32, #tpu.memory_space<vmem>> -> memref<128xi32, #tpu.memory_space<vmem>>
    %dma_start3A_75 = arith.constant 0 : i32
    %dma_start3A_76 = tpu.memref_slice %arg6[%dma_start3A_70, %dma_start3A_75] : memref<2x1000000xf32, #tpu.memory_space<hbm>> -> memref<1x1000000xf32, #tpu.memory_space<hbm>>
    %dma_start3A_77 = tpu.memref_squeeze %dma_start3A_76 : memref<1x1000000xf32, #tpu.memory_space<hbm>> -> memref<1000000xf32, #tpu.memory_space<hbm>>
    %dma_start3A_78 = arith.constant 0 : i32
    %dma_start3A_79 = tpu.memref_slice %dma_start3A_77[%dma_start3A_78] : memref<1000000xf32, #tpu.memory_space<hbm>> -> memref<1000000xf32, #tpu.memory_space<hbm>>
    tpu.enqueue_indirect_dma source(%dma_start3A_79 : memref<1000000xf32, #tpu.memory_space<hbm>>) target(%dma_start3A_72 : memref<128xf32, #tpu.memory_space<vmem>>) offsets(%dma_start3A_74 : memref<128xi32, #tpu.memory_space<vmem>>) semaphore(%arg15 : memref<!tpu.dma_semaphore, #tpu.memory_space<semaphore_mem>>)
    %dma_start3A_80 = arith.constant 1 : i32
    %dma_start3A_81 = arith.constant 384 : i32
    %dma_start3A_82 = tpu.memref_slice %arg13[%dma_start3A_81] : memref<512xf32, #tpu.memory_space<vmem>> -> memref<128xf32, #tpu.memory_space<vmem>>
    %dma_start3A_83 = arith.constant 384 : i32
    %dma_start3A_84 = tpu.memref_slice %arg11[%dma_start3A_83] : memref<512xi32, #tpu.memory_space<vmem>> -> memref<128xi32, #tpu.memory_space<vmem>>
    %dma_start3A_85 = arith.constant 0 : i32
    %dma_start3A_86 = tpu.memref_slice %arg6[%dma_start3A_80, %dma_start3A_85] : memref<2x1000000xf32, #tpu.memory_space<hbm>> -> memref<1x1000000xf32, #tpu.memory_space<hbm>>
    %dma_start3A_87 = tpu.memref_squeeze %dma_start3A_86 : memref<1x1000000xf32, #tpu.memory_space<hbm>> -> memref<1000000xf32, #tpu.memory_space<hbm>>
    %dma_start3A_88 = arith.constant 0 : i32
    %dma_start3A_89 = tpu.memref_slice %dma_start3A_87[%dma_start3A_88] : memref<1000000xf32, #tpu.memory_space<hbm>> -> memref<1000000xf32, #tpu.memory_space<hbm>>
    tpu.enqueue_indirect_dma source(%dma_start3A_89 : memref<1000000xf32, #tpu.memory_space<hbm>>) target(%dma_start3A_82 : memref<128xf32, #tpu.memory_space<vmem>>) offsets(%dma_start3A_84 : memref<128xi32, #tpu.memory_space<vmem>>) semaphore(%arg15 : memref<!tpu.dma_semaphore, #tpu.memory_space<semaphore_mem>>)
    %dma_wait3A = arith.constant 0 : i32
    %dma_wait3A_90 = tpu.memref_slice %arg2[%mul3A_2, %dma_wait3A] : memref<16384x32xf32, #tpu.memory_space<hbm>> -> memref<512x32xf32, #tpu.memory_space<hbm>>
    %dma_wait3A_91 = arith.constant 0 : i32
    %dma_wait3A_92 = tpu.memref_slice %arg2[%mul3A_2, %dma_wait3A_91] : memref<16384x32xf32, #tpu.memory_space<hbm>> -> memref<512x32xf32, #tpu.memory_space<hbm>>
    tpu.wait_dma2 semaphore(%arg15 : memref<!tpu.dma_semaphore, #tpu.memory_space<semaphore_mem>>) src(%dma_wait3A_92 : memref<512x32xf32, #tpu.memory_space<hbm>>) dst(%arg8 : memref<512x32xf32, #tpu.memory_space<vmem>>)
    %dma_wait3A_93 = arith.constant 0 : i32
    %dma_wait3A_94 = tpu.memref_slice %arg3[%mul3A_2, %dma_wait3A_93] : memref<16384x32xf32, #tpu.memory_space<hbm>> -> memref<512x32xf32, #tpu.memory_space<hbm>>
    %dma_wait3A_95 = arith.constant 0 : i32
    %dma_wait3A_96 = tpu.memref_slice %arg3[%mul3A_2, %dma_wait3A_95] : memref<16384x32xf32, #tpu.memory_space<hbm>> -> memref<512x32xf32, #tpu.memory_space<hbm>>
    tpu.wait_dma2 semaphore(%arg15 : memref<!tpu.dma_semaphore, #tpu.memory_space<semaphore_mem>>) src(%dma_wait3A_96 : memref<512x32xf32, #tpu.memory_space<hbm>>) dst(%arg9 : memref<512x32xf32, #tpu.memory_space<vmem>>)
    %dma_wait3A_97 = arith.constant 0 : i32
    %dma_wait3A_98 = arith.constant 0 : i32
    %dma_wait3A_99 = tpu.memref_slice %arg12[%dma_wait3A_98] : memref<512xf32, #tpu.memory_space<vmem>> -> memref<128xf32, #tpu.memory_space<vmem>>
    %dma_wait3A_100 = arith.constant 0 : i32
    %dma_wait3A_101 = tpu.memref_slice %arg10[%dma_wait3A_100] : memref<512xi32, #tpu.memory_space<vmem>> -> memref<128xi32, #tpu.memory_space<vmem>>
    %dma_wait3A_102 = arith.constant 0 : i32
    %dma_wait3A_103 = tpu.memref_slice %arg6[%dma_wait3A_97, %dma_wait3A_102] : memref<2x1000000xf32, #tpu.memory_space<hbm>> -> memref<1x1000000xf32, #tpu.memory_space<hbm>>
    %dma_wait3A_104 = tpu.memref_squeeze %dma_wait3A_103 : memref<1x1000000xf32, #tpu.memory_space<hbm>> -> memref<1000000xf32, #tpu.memory_space<hbm>>
    %dma_wait3A_105 = arith.constant 0 : i32
    %dma_wait3A_106 = tpu.memref_slice %dma_wait3A_104[%dma_wait3A_105] : memref<1000000xf32, #tpu.memory_space<hbm>> -> memref<1000000xf32, #tpu.memory_space<hbm>>
    tpu.wait_indirect_dma semaphore(%arg15 : memref<!tpu.dma_semaphore, #tpu.memory_space<semaphore_mem>>) src(%dma_wait3A_106 : memref<1000000xf32, #tpu.memory_space<hbm>>) dst(%dma_wait3A_99 : memref<128xf32, #tpu.memory_space<vmem>>)
    %dma_wait3A_107 = arith.constant 1 : i32
    %dma_wait3A_108 = arith.constant 0 : i32
    %dma_wait3A_109 = tpu.memref_slice %arg13[%dma_wait3A_108] : memref<512xf32, #tpu.memory_space<vmem>> -> memref<128xf32, #tpu.memory_space<vmem>>
    %dma_wait3A_110 = arith.constant 0 : i32
    %dma_wait3A_111 = tpu.memref_slice %arg11[%dma_wait3A_110] : memref<512xi32, #tpu.memory_space<vmem>> -> memref<128xi32, #tpu.memory_space<vmem>>
    %dma_wait3A_112 = arith.constant 0 : i32
    %dma_wait3A_113 = tpu.memref_slice %arg6[%dma_wait3A_107, %dma_wait3A_112] : memref<2x1000000xf32, #tpu.memory_space<hbm>> -> memref<1x1000000xf32, #tpu.memory_space<hbm>>
    %dma_wait3A_114 = tpu.memref_squeeze %dma_wait3A_113 : memref<1x1000000xf32, #tpu.memory_space<hbm>> -> memref<1000000xf32, #tpu.memory_space<hbm>>
    %dma_wait3A_115 = arith.constant 0 : i32
    %dma_wait3A_116 = tpu.memref_slice %dma_wait3A_114[%dma_wait3A_115] : memref<1000000xf32, #tpu.memory_space<hbm>> -> memref<1000000xf32, #tpu.memory_space<hbm>>
    tpu.wait_indirect_dma semaphore(%arg15 : memref<!tpu.dma_semaphore, #tpu.memory_space<semaphore_mem>>) src(%dma_wait3A_116 : memref<1000000xf32, #tpu.memory_space<hbm>>) dst(%dma_wait3A_109 : memref<128xf32, #tpu.memory_space<vmem>>)
    %dma_wait3A_117 = arith.constant 0 : i32
    %dma_wait3A_118 = arith.constant 128 : i32
    %dma_wait3A_119 = tpu.memref_slice %arg12[%dma_wait3A_118] : memref<512xf32, #tpu.memory_space<vmem>> -> memref<128xf32, #tpu.memory_space<vmem>>
    %dma_wait3A_120 = arith.constant 128 : i32
    %dma_wait3A_121 = tpu.memref_slice %arg10[%dma_wait3A_120] : memref<512xi32, #tpu.memory_space<vmem>> -> memref<128xi32, #tpu.memory_space<vmem>>
    %dma_wait3A_122 = arith.constant 0 : i32
    %dma_wait3A_123 = tpu.memref_slice %arg6[%dma_wait3A_117, %dma_wait3A_122] : memref<2x1000000xf32, #tpu.memory_space<hbm>> -> memref<1x1000000xf32, #tpu.memory_space<hbm>>
    %dma_wait3A_124 = tpu.memref_squeeze %dma_wait3A_123 : memref<1x1000000xf32, #tpu.memory_space<hbm>> -> memref<1000000xf32, #tpu.memory_space<hbm>>
    %dma_wait3A_125 = arith.constant 0 : i32
    %dma_wait3A_126 = tpu.memref_slice %dma_wait3A_124[%dma_wait3A_125] : memref<1000000xf32, #tpu.memory_space<hbm>> -> memref<1000000xf32, #tpu.memory_space<hbm>>
    tpu.wait_indirect_dma semaphore(%arg15 : memref<!tpu.dma_semaphore, #tpu.memory_space<semaphore_mem>>) src(%dma_wait3A_126 : memref<1000000xf32, #tpu.memory_space<hbm>>) dst(%dma_wait3A_119 : memref<128xf32, #tpu.memory_space<vmem>>)
    %dma_wait3A_127 = arith.constant 1 : i32
    %dma_wait3A_128 = arith.constant 128 : i32
    %dma_wait3A_129 = tpu.memref_slice %arg13[%dma_wait3A_128] : memref<512xf32, #tpu.memory_space<vmem>> -> memref<128xf32, #tpu.memory_space<vmem>>
    %dma_wait3A_130 = arith.constant 128 : i32
    %dma_wait3A_131 = tpu.memref_slice %arg11[%dma_wait3A_130] : memref<512xi32, #tpu.memory_space<vmem>> -> memref<128xi32, #tpu.memory_space<vmem>>
    %dma_wait3A_132 = arith.constant 0 : i32
    %dma_wait3A_133 = tpu.memref_slice %arg6[%dma_wait3A_127, %dma_wait3A_132] : memref<2x1000000xf32, #tpu.memory_space<hbm>> -> memref<1x1000000xf32, #tpu.memory_space<hbm>>
    %dma_wait3A_134 = tpu.memref_squeeze %dma_wait3A_133 : memref<1x1000000xf32, #tpu.memory_space<hbm>> -> memref<1000000xf32, #tpu.memory_space<hbm>>
    %dma_wait3A_135 = arith.constant 0 : i32
    %dma_wait3A_136 = tpu.memref_slice %dma_wait3A_134[%dma_wait3A_135] : memref<1000000xf32, #tpu.memory_space<hbm>> -> memref<1000000xf32, #tpu.memory_space<hbm>>
    tpu.wait_indirect_dma semaphore(%arg15 : memref<!tpu.dma_semaphore, #tpu.memory_space<semaphore_mem>>) src(%dma_wait3A_136 : memref<1000000xf32, #tpu.memory_space<hbm>>) dst(%dma_wait3A_129 : memref<128xf32, #tpu.memory_space<vmem>>)
    %dma_wait3A_137 = arith.constant 0 : i32
    %dma_wait3A_138 = arith.constant 256 : i32
    %dma_wait3A_139 = tpu.memref_slice %arg12[%dma_wait3A_138] : memref<512xf32, #tpu.memory_space<vmem>> -> memref<128xf32, #tpu.memory_space<vmem>>
    %dma_wait3A_140 = arith.constant 256 : i32
    %dma_wait3A_141 = tpu.memref_slice %arg10[%dma_wait3A_140] : memref<512xi32, #tpu.memory_space<vmem>> -> memref<128xi32, #tpu.memory_space<vmem>>
    %dma_wait3A_142 = arith.constant 0 : i32
    %dma_wait3A_143 = tpu.memref_slice %arg6[%dma_wait3A_137, %dma_wait3A_142] : memref<2x1000000xf32, #tpu.memory_space<hbm>> -> memref<1x1000000xf32, #tpu.memory_space<hbm>>
    %dma_wait3A_144 = tpu.memref_squeeze %dma_wait3A_143 : memref<1x1000000xf32, #tpu.memory_space<hbm>> -> memref<1000000xf32, #tpu.memory_space<hbm>>
    %dma_wait3A_145 = arith.constant 0 : i32
    %dma_wait3A_146 = tpu.memref_slice %dma_wait3A_144[%dma_wait3A_145] : memref<1000000xf32, #tpu.memory_space<hbm>> -> memref<1000000xf32, #tpu.memory_space<hbm>>
    tpu.wait_indirect_dma semaphore(%arg15 : memref<!tpu.dma_semaphore, #tpu.memory_space<semaphore_mem>>) src(%dma_wait3A_146 : memref<1000000xf32, #tpu.memory_space<hbm>>) dst(%dma_wait3A_139 : memref<128xf32, #tpu.memory_space<vmem>>)
    %dma_wait3A_147 = arith.constant 1 : i32
    %dma_wait3A_148 = arith.constant 256 : i32
    %dma_wait3A_149 = tpu.memref_slice %arg13[%dma_wait3A_148] : memref<512xf32, #tpu.memory_space<vmem>> -> memref<128xf32, #tpu.memory_space<vmem>>
    %dma_wait3A_150 = arith.constant 256 : i32
    %dma_wait3A_151 = tpu.memref_slice %arg11[%dma_wait3A_150] : memref<512xi32, #tpu.memory_space<vmem>> -> memref<128xi32, #tpu.memory_space<vmem>>
    %dma_wait3A_152 = arith.constant 0 : i32
    %dma_wait3A_153 = tpu.memref_slice %arg6[%dma_wait3A_147, %dma_wait3A_152] : memref<2x1000000xf32, #tpu.memory_space<hbm>> -> memref<1x1000000xf32, #tpu.memory_space<hbm>>
    %dma_wait3A_154 = tpu.memref_squeeze %dma_wait3A_153 : memref<1x1000000xf32, #tpu.memory_space<hbm>> -> memref<1000000xf32, #tpu.memory_space<hbm>>
    %dma_wait3A_155 = arith.constant 0 : i32
    %dma_wait3A_156 = tpu.memref_slice %dma_wait3A_154[%dma_wait3A_155] : memref<1000000xf32, #tpu.memory_space<hbm>> -> memref<1000000xf32, #tpu.memory_space<hbm>>
    tpu.wait_indirect_dma semaphore(%arg15 : memref<!tpu.dma_semaphore, #tpu.memory_space<semaphore_mem>>) src(%dma_wait3A_156 : memref<1000000xf32, #tpu.memory_space<hbm>>) dst(%dma_wait3A_149 : memref<128xf32, #tpu.memory_space<vmem>>)
    %dma_wait3A_157 = arith.constant 0 : i32
    %dma_wait3A_158 = arith.constant 384 : i32
    %dma_wait3A_159 = tpu.memref_slice %arg12[%dma_wait3A_158] : memref<512xf32, #tpu.memory_space<vmem>> -> memref<128xf32, #tpu.memory_space<vmem>>
    %dma_wait3A_160 = arith.constant 384 : i32
    %dma_wait3A_161 = tpu.memref_slice %arg10[%dma_wait3A_160] : memref<512xi32, #tpu.memory_space<vmem>> -> memref<128xi32, #tpu.memory_space<vmem>>
    %dma_wait3A_162 = arith.constant 0 : i32
    %dma_wait3A_163 = tpu.memref_slice %arg6[%dma_wait3A_157, %dma_wait3A_162] : memref<2x1000000xf32, #tpu.memory_space<hbm>> -> memref<1x1000000xf32, #tpu.memory_space<hbm>>
    %dma_wait3A_164 = tpu.memref_squeeze %dma_wait3A_163 : memref<1x1000000xf32, #tpu.memory_space<hbm>> -> memref<1000000xf32, #tpu.memory_space<hbm>>
    %dma_wait3A_165 = arith.constant 0 : i32
    %dma_wait3A_166 = tpu.memref_slice %dma_wait3A_164[%dma_wait3A_165] : memref<1000000xf32, #tpu.memory_space<hbm>> -> memref<1000000xf32, #tpu.memory_space<hbm>>
    tpu.wait_indirect_dma semaphore(%arg15 : memref<!tpu.dma_semaphore, #tpu.memory_space<semaphore_mem>>) src(%dma_wait3A_166 : memref<1000000xf32, #tpu.memory_space<hbm>>) dst(%dma_wait3A_159 : memref<128xf32, #tpu.memory_space<vmem>>)
    %dma_wait3A_167 = arith.constant 1 : i32
    %dma_wait3A_168 = arith.constant 384 : i32
    %dma_wait3A_169 = tpu.memref_slice %arg13[%dma_wait3A_168] : memref<512xf32, #tpu.memory_space<vmem>> -> memref<128xf32, #tpu.memory_space<vmem>>
    %dma_wait3A_170 = arith.constant 384 : i32
    %dma_wait3A_171 = tpu.memref_slice %arg11[%dma_wait3A_170] : memref<512xi32, #tpu.memory_space<vmem>> -> memref<128xi32, #tpu.memory_space<vmem>>
    %dma_wait3A_172 = arith.constant 0 : i32
    %dma_wait3A_173 = tpu.memref_slice %arg6[%dma_wait3A_167, %dma_wait3A_172] : memref<2x1000000xf32, #tpu.memory_space<hbm>> -> memref<1x1000000xf32, #tpu.memory_space<hbm>>
    %dma_wait3A_174 = tpu.memref_squeeze %dma_wait3A_173 : memref<1x1000000xf32, #tpu.memory_space<hbm>> -> memref<1000000xf32, #tpu.memory_space<hbm>>
    %dma_wait3A_175 = arith.constant 0 : i32
    %dma_wait3A_176 = tpu.memref_slice %dma_wait3A_174[%dma_wait3A_175] : memref<1000000xf32, #tpu.memory_space<hbm>> -> memref<1000000xf32, #tpu.memory_space<hbm>>
    tpu.wait_indirect_dma semaphore(%arg15 : memref<!tpu.dma_semaphore, #tpu.memory_space<semaphore_mem>>) src(%dma_wait3A_176 : memref<1000000xf32, #tpu.memory_space<hbm>>) dst(%dma_wait3A_169 : memref<128xf32, #tpu.memory_space<vmem>>)
    %iota3A = tpu.iota {dimensions = array<i32: 0>} : vector<16xi32>
    %scan3A = arith.constant 0 : i32
    %scan3A_177 = arith.constant 0 : i32
    %scan3A_178 = arith.constant 32 : i32
    %scan3A_179 = arith.addi %scan3A_177, %scan3A_178 : i32
    %scan3A_180 = arith.constant 1 : i32
    scf.for %scan3A_182 = %scan3A_177 to %scan3A_179 step %scan3A_180  : i32 {
      %mul3A_183 = arith.constant 16 : i32
      %mul3A_184 = arith.muli %scan3A_182, %mul3A_183 : i32
      %add3A_185 = vector.broadcast %mul3A_184 : i32 to vector<16xi32>
      %add3A_186 = arith.addi %add3A_185, %iota3A : vector<16xi32>
      %mul3A_187 = arith.constant 16 : i32
      %mul3A_188 = arith.muli %scan3A_182, %mul3A_187 : i32
      %get3A = arith.index_cast %mul3A_188 : i32 to index
      %get3A_189 = tpu.vector_load %arg12[%get3A] {strides = array<i32>} : memref<512xf32, #tpu.memory_space<vmem>>, vector<16xf32>,
      %mul3A_190 = arith.constant 16 : i32
      %mul3A_191 = arith.muli %scan3A_182, %mul3A_190 : i32
      %get3A_192 = arith.index_cast %mul3A_191 : i32 to index
      %get3A_193 = tpu.vector_load %arg13[%get3A_192] {strides = array<i32>} : memref<512xf32, #tpu.memory_space<vmem>>, vector<16xf32>,
      %broadcast_in_dim3A = arith.constant 0 : i32
      %broadcast_in_dim3A_194 = vector.broadcast %broadcast_in_dim3A : i32 to vector<16xi32>
      %broadcast_in_dim3A_195 = arith.constant 1 : i32
      %broadcast_in_dim3A_196 = vector.broadcast %broadcast_in_dim3A_195 : i32 to vector<16xi32>
      %gather3A = tpu.vector_load_idx %arg8[%add3A_186, %broadcast_in_dim3A_194] : memref<512x32xf32, #tpu.memory_space<vmem>>[vector<16xi32>, vector<16xi32>], vector<16xf32>,
      %gather3A_197 = tpu.vector_load_idx %arg9[%add3A_186, %broadcast_in_dim3A_194] : memref<512x32xf32, #tpu.memory_space<vmem>>[vector<16xi32>, vector<16xi32>], vector<16xf32>,
      %mul3A_198 = arith.mulf %gather3A, %gather3A_197 : vector<16xf32>
      %add3A_199 = arith.addf %get3A_189, %mul3A_198 : vector<16xf32>
      %gather3A_200 = tpu.vector_load_idx %arg8[%add3A_186, %broadcast_in_dim3A_196] : memref<512x32xf32, #tpu.memory_space<vmem>>[vector<16xi32>, vector<16xi32>], vector<16xf32>,
      %gather3A_201 = tpu.vector_load_idx %arg9[%add3A_186, %broadcast_in_dim3A_196] : memref<512x32xf32, #tpu.memory_space<vmem>>[vector<16xi32>, vector<16xi32>], vector<16xf32>,
      %mul3A_202 = arith.mulf %gather3A_200, %gather3A_201 : vector<16xf32>
      %add3A_203 = arith.addf %get3A_193, %mul3A_202 : vector<16xf32>
      %broadcast_in_dim3A_204 = arith.constant 2 : i32
      %broadcast_in_dim3A_205 = vector.broadcast %broadcast_in_dim3A_204 : i32 to vector<16xi32>
      %broadcast_in_dim3A_206 = arith.constant 3 : i32
      %broadcast_in_dim3A_207 = vector.broadcast %broadcast_in_dim3A_206 : i32 to vector<16xi32>
      %gather3A_208 = tpu.vector_load_idx %arg8[%add3A_186, %broadcast_in_dim3A_205] : memref<512x32xf32, #tpu.memory_space<vmem>>[vector<16xi32>, vector<16xi32>], vector<16xf32>,
      %gather3A_209 = tpu.vector_load_idx %arg9[%add3A_186, %broadcast_in_dim3A_205] : memref<512x32xf32, #tpu.memory_space<vmem>>[vector<16xi32>, vector<16xi32>], vector<16xf32>,
      %mul3A_210 = arith.mulf %gather3A_208, %gather3A_209 : vector<16xf32>
      %add3A_211 = arith.addf %add3A_199, %mul3A_210 : vector<16xf32>
      %gather3A_212 = tpu.vector_load_idx %arg8[%add3A_186, %broadcast_in_dim3A_207] : memref<512x32xf32, #tpu.memory_space<vmem>>[vector<16xi32>, vector<16xi32>], vector<16xf32>,
      %gather3A_213 = tpu.vector_load_idx %arg9[%add3A_186, %broadcast_in_dim3A_207] : memref<512x32xf32, #tpu.memory_space<vmem>>[vector<16xi32>, vector<16xi32>], vector<16xf32>,
      %mul3A_214 = arith.mulf %gather3A_212, %gather3A_213 : vector<16xf32>
      %add3A_215 = arith.addf %add3A_203, %mul3A_214 : vector<16xf32>
      %broadcast_in_dim3A_216 = arith.constant 4 : i32
      %broadcast_in_dim3A_217 = vector.broadcast %broadcast_in_dim3A_216 : i32 to vector<16xi32>
      %broadcast_in_dim3A_218 = arith.constant 5 : i32
      %broadcast_in_dim3A_219 = vector.broadcast %broadcast_in_dim3A_218 : i32 to vector<16xi32>
      %gather3A_220 = tpu.vector_load_idx %arg8[%add3A_186, %broadcast_in_dim3A_217] : memref<512x32xf32, #tpu.memory_space<vmem>>[vector<16xi32>, vector<16xi32>], vector<16xf32>,
      %gather3A_221 = tpu.vector_load_idx %arg9[%add3A_186, %broadcast_in_dim3A_217] : memref<512x32xf32, #tpu.memory_space<vmem>>[vector<16xi32>, vector<16xi32>], vector<16xf32>,
      %mul3A_222 = arith.mulf %gather3A_220, %gather3A_221 : vector<16xf32>
      %add3A_223 = arith.addf %add3A_211, %mul3A_222 : vector<16xf32>
      %gather3A_224 = tpu.vector_load_idx %arg8[%add3A_186, %broadcast_in_dim3A_219] : memref<512x32xf32, #tpu.memory_space<vmem>>[vector<16xi32>, vector<16xi32>], vector<16xf32>,
      %gather3A_225 = tpu.vector_load_idx %arg9[%add3A_186, %broadcast_in_dim3A_219] : memref<512x32xf32, #tpu.memory_space<vmem>>[vector<16xi32>, vector<16xi32>], vector<16xf32>,
      %mul3A_226 = arith.mulf %gather3A_224, %gather3A_225 : vector<16xf32>
      %add3A_227 = arith.addf %add3A_215, %mul3A_226 : vector<16xf32>
      %broadcast_in_dim3A_228 = arith.constant 6 : i32
      %broadcast_in_dim3A_229 = vector.broadcast %broadcast_in_dim3A_228 : i32 to vector<16xi32>
      %broadcast_in_dim3A_230 = arith.constant 7 : i32
      %broadcast_in_dim3A_231 = vector.broadcast %broadcast_in_dim3A_230 : i32 to vector<16xi32>
      %gather3A_232 = tpu.vector_load_idx %arg8[%add3A_186, %broadcast_in_dim3A_229] : memref<512x32xf32, #tpu.memory_space<vmem>>[vector<16xi32>, vector<16xi32>], vector<16xf32>,
      %gather3A_233 = tpu.vector_load_idx %arg9[%add3A_186, %broadcast_in_dim3A_229] : memref<512x32xf32, #tpu.memory_space<vmem>>[vector<16xi32>, vector<16xi32>], vector<16xf32>,
      %mul3A_234 = arith.mulf %gather3A_232, %gather3A_233 : vector<16xf32>
      %add3A_235 = arith.addf %add3A_223, %mul3A_234 : vector<16xf32>
      %gather3A_236 = tpu.vector_load_idx %arg8[%add3A_186, %broadcast_in_dim3A_231] : memref<512x32xf32, #tpu.memory_space<vmem>>[vector<16xi32>, vector<16xi32>], vector<16xf32>,
      %gather3A_237 = tpu.vector_load_idx %arg9[%add3A_186, %broadcast_in_dim3A_231] : memref<512x32xf32, #tpu.memory_space<vmem>>[vector<16xi32>, vector<16xi32>], vector<16xf32>,
      %mul3A_238 = arith.mulf %gather3A_236, %gather3A_237 : vector<16xf32>
      %add3A_239 = arith.addf %add3A_227, %mul3A_238 : vector<16xf32>
      %broadcast_in_dim3A_240 = arith.constant 8 : i32
      %broadcast_in_dim3A_241 = vector.broadcast %broadcast_in_dim3A_240 : i32 to vector<16xi32>
      %broadcast_in_dim3A_242 = arith.constant 9 : i32
      %broadcast_in_dim3A_243 = vector.broadcast %broadcast_in_dim3A_242 : i32 to vector<16xi32>
      %gather3A_244 = tpu.vector_load_idx %arg8[%add3A_186, %broadcast_in_dim3A_241] : memref<512x32xf32, #tpu.memory_space<vmem>>[vector<16xi32>, vector<16xi32>], vector<16xf32>,
      %gather3A_245 = tpu.vector_load_idx %arg9[%add3A_186, %broadcast_in_dim3A_241] : memref<512x32xf32, #tpu.memory_space<vmem>>[vector<16xi32>, vector<16xi32>], vector<16xf32>,
      %mul3A_246 = arith.mulf %gather3A_244, %gather3A_245 : vector<16xf32>
      %add3A_247 = arith.addf %add3A_235, %mul3A_246 : vector<16xf32>
      %gather3A_248 = tpu.vector_load_idx %arg8[%add3A_186, %broadcast_in_dim3A_243] : memref<512x32xf32, #tpu.memory_space<vmem>>[vector<16xi32>, vector<16xi32>], vector<16xf32>,
      %gather3A_249 = tpu.vector_load_idx %arg9[%add3A_186, %broadcast_in_dim3A_243] : memref<512x32xf32, #tpu.memory_space<vmem>>[vector<16xi32>, vector<16xi32>], vector<16xf32>,
      %mul3A_250 = arith.mulf %gather3A_248, %gather3A_249 : vector<16xf32>
      %add3A_251 = arith.addf %add3A_239, %mul3A_250 : vector<16xf32>
      %broadcast_in_dim3A_252 = arith.constant 10 : i32
      %broadcast_in_dim3A_253 = vector.broadcast %broadcast_in_dim3A_252 : i32 to vector<16xi32>
      %broadcast_in_dim3A_254 = arith.constant 11 : i32
      %broadcast_in_dim3A_255 = vector.broadcast %broadcast_in_dim3A_254 : i32 to vector<16xi32>
      %gather3A_256 = tpu.vector_load_idx %arg8[%add3A_186, %broadcast_in_dim3A_253] : memref<512x32xf32, #tpu.memory_space<vmem>>[vector<16xi32>, vector<16xi32>], vector<16xf32>,
      %gather3A_257 = tpu.vector_load_idx %arg9[%add3A_186, %broadcast_in_dim3A_253] : memref<512x32xf32, #tpu.memory_space<vmem>>[vector<16xi32>, vector<16xi32>], vector<16xf32>,
      %mul3A_258 = arith.mulf %gather3A_256, %gather3A_257 : vector<16xf32>
      %add3A_259 = arith.addf %add3A_247, %mul3A_258 : vector<16xf32>
      %gather3A_260 = tpu.vector_load_idx %arg8[%add3A_186, %broadcast_in_dim3A_255] : memref<512x32xf32, #tpu.memory_space<vmem>>[vector<16xi32>, vector<16xi32>], vector<16xf32>,
      %gather3A_261 = tpu.vector_load_idx %arg9[%add3A_186, %broadcast_in_dim3A_255] : memref<512x32xf32, #tpu.memory_space<vmem>>[vector<16xi32>, vector<16xi32>], vector<16xf32>,
      %mul3A_262 = arith.mulf %gather3A_260, %gather3A_261 : vector<16xf32>
      %add3A_263 = arith.addf %add3A_251, %mul3A_262 : vector<16xf32>
      %broadcast_in_dim3A_264 = arith.constant 12 : i32
      %broadcast_in_dim3A_265 = vector.broadcast %broadcast_in_dim3A_264 : i32 to vector<16xi32>
      %broadcast_in_dim3A_266 = arith.constant 13 : i32
      %broadcast_in_dim3A_267 = vector.broadcast %broadcast_in_dim3A_266 : i32 to vector<16xi32>
      %gather3A_268 = tpu.vector_load_idx %arg8[%add3A_186, %broadcast_in_dim3A_265] : memref<512x32xf32, #tpu.memory_space<vmem>>[vector<16xi32>, vector<16xi32>], vector<16xf32>,
      %gather3A_269 = tpu.vector_load_idx %arg9[%add3A_186, %broadcast_in_dim3A_265] : memref<512x32xf32, #tpu.memory_space<vmem>>[vector<16xi32>, vector<16xi32>], vector<16xf32>,
      %mul3A_270 = arith.mulf %gather3A_268, %gather3A_269 : vector<16xf32>
      %add3A_271 = arith.addf %add3A_259, %mul3A_270 : vector<16xf32>
      %gather3A_272 = tpu.vector_load_idx %arg8[%add3A_186, %broadcast_in_dim3A_267] : memref<512x32xf32, #tpu.memory_space<vmem>>[vector<16xi32>, vector<16xi32>], vector<16xf32>,
      %gather3A_273 = tpu.vector_load_idx %arg9[%add3A_186, %broadcast_in_dim3A_267] : memref<512x32xf32, #tpu.memory_space<vmem>>[vector<16xi32>, vector<16xi32>], vector<16xf32>,
      %mul3A_274 = arith.mulf %gather3A_272, %gather3A_273 : vector<16xf32>
      %add3A_275 = arith.addf %add3A_263, %mul3A_274 : vector<16xf32>
      %broadcast_in_dim3A_276 = arith.constant 14 : i32
      %broadcast_in_dim3A_277 = vector.broadcast %broadcast_in_dim3A_276 : i32 to vector<16xi32>
      %broadcast_in_dim3A_278 = arith.constant 15 : i32
      %broadcast_in_dim3A_279 = vector.broadcast %broadcast_in_dim3A_278 : i32 to vector<16xi32>
      %gather3A_280 = tpu.vector_load_idx %arg8[%add3A_186, %broadcast_in_dim3A_277] : memref<512x32xf32, #tpu.memory_space<vmem>>[vector<16xi32>, vector<16xi32>], vector<16xf32>,
      %gather3A_281 = tpu.vector_load_idx %arg9[%add3A_186, %broadcast_in_dim3A_277] : memref<512x32xf32, #tpu.memory_space<vmem>>[vector<16xi32>, vector<16xi32>], vector<16xf32>,
      %mul3A_282 = arith.mulf %gather3A_280, %gather3A_281 : vector<16xf32>
      %add3A_283 = arith.addf %add3A_271, %mul3A_282 : vector<16xf32>
      %gather3A_284 = tpu.vector_load_idx %arg8[%add3A_186, %broadcast_in_dim3A_279] : memref<512x32xf32, #tpu.memory_space<vmem>>[vector<16xi32>, vector<16xi32>], vector<16xf32>,
      %gather3A_285 = tpu.vector_load_idx %arg9[%add3A_186, %broadcast_in_dim3A_279] : memref<512x32xf32, #tpu.memory_space<vmem>>[vector<16xi32>, vector<16xi32>], vector<16xf32>,
      %mul3A_286 = arith.mulf %gather3A_284, %gather3A_285 : vector<16xf32>
      %add3A_287 = arith.addf %add3A_275, %mul3A_286 : vector<16xf32>
      %broadcast_in_dim3A_288 = arith.constant 16 : i32
      %broadcast_in_dim3A_289 = vector.broadcast %broadcast_in_dim3A_288 : i32 to vector<16xi32>
      %broadcast_in_dim3A_290 = arith.constant 17 : i32
      %broadcast_in_dim3A_291 = vector.broadcast %broadcast_in_dim3A_290 : i32 to vector<16xi32>
      %gather3A_292 = tpu.vector_load_idx %arg8[%add3A_186, %broadcast_in_dim3A_289] : memref<512x32xf32, #tpu.memory_space<vmem>>[vector<16xi32>, vector<16xi32>], vector<16xf32>,
      %gather3A_293 = tpu.vector_load_idx %arg9[%add3A_186, %broadcast_in_dim3A_289] : memref<512x32xf32, #tpu.memory_space<vmem>>[vector<16xi32>, vector<16xi32>], vector<16xf32>,
      %mul3A_294 = arith.mulf %gather3A_292, %gather3A_293 : vector<16xf32>
      %add3A_295 = arith.addf %add3A_283, %mul3A_294 : vector<16xf32>
      %gather3A_296 = tpu.vector_load_idx %arg8[%add3A_186, %broadcast_in_dim3A_291] : memref<512x32xf32, #tpu.memory_space<vmem>>[vector<16xi32>, vector<16xi32>], vector<16xf32>,
      %gather3A_297 = tpu.vector_load_idx %arg9[%add3A_186, %broadcast_in_dim3A_291] : memref<512x32xf32, #tpu.memory_space<vmem>>[vector<16xi32>, vector<16xi32>], vector<16xf32>,
      %mul3A_298 = arith.mulf %gather3A_296, %gather3A_297 : vector<16xf32>
      %add3A_299 = arith.addf %add3A_287, %mul3A_298 : vector<16xf32>
      %broadcast_in_dim3A_300 = arith.constant 18 : i32
      %broadcast_in_dim3A_301 = vector.broadcast %broadcast_in_dim3A_300 : i32 to vector<16xi32>
      %broadcast_in_dim3A_302 = arith.constant 19 : i32
      %broadcast_in_dim3A_303 = vector.broadcast %broadcast_in_dim3A_302 : i32 to vector<16xi32>
      %gather3A_304 = tpu.vector_load_idx %arg8[%add3A_186, %broadcast_in_dim3A_301] : memref<512x32xf32, #tpu.memory_space<vmem>>[vector<16xi32>, vector<16xi32>], vector<16xf32>,
      %gather3A_305 = tpu.vector_load_idx %arg9[%add3A_186, %broadcast_in_dim3A_301] : memref<512x32xf32, #tpu.memory_space<vmem>>[vector<16xi32>, vector<16xi32>], vector<16xf32>,
      %mul3A_306 = arith.mulf %gather3A_304, %gather3A_305 : vector<16xf32>
      %add3A_307 = arith.addf %add3A_295, %mul3A_306 : vector<16xf32>
      %gather3A_308 = tpu.vector_load_idx %arg8[%add3A_186, %broadcast_in_dim3A_303] : memref<512x32xf32, #tpu.memory_space<vmem>>[vector<16xi32>, vector<16xi32>], vector<16xf32>,
      %gather3A_309 = tpu.vector_load_idx %arg9[%add3A_186, %broadcast_in_dim3A_303] : memref<512x32xf32, #tpu.memory_space<vmem>>[vector<16xi32>, vector<16xi32>], vector<16xf32>,
      %mul3A_310 = arith.mulf %gather3A_308, %gather3A_309 : vector<16xf32>
      %add3A_311 = arith.addf %add3A_299, %mul3A_310 : vector<16xf32>
      %broadcast_in_dim3A_312 = arith.constant 20 : i32
      %broadcast_in_dim3A_313 = vector.broadcast %broadcast_in_dim3A_312 : i32 to vector<16xi32>
      %broadcast_in_dim3A_314 = arith.constant 21 : i32
      %broadcast_in_dim3A_315 = vector.broadcast %broadcast_in_dim3A_314 : i32 to vector<16xi32>
      %gather3A_316 = tpu.vector_load_idx %arg8[%add3A_186, %broadcast_in_dim3A_313] : memref<512x32xf32, #tpu.memory_space<vmem>>[vector<16xi32>, vector<16xi32>], vector<16xf32>,
      %gather3A_317 = tpu.vector_load_idx %arg9[%add3A_186, %broadcast_in_dim3A_313] : memref<512x32xf32, #tpu.memory_space<vmem>>[vector<16xi32>, vector<16xi32>], vector<16xf32>,
      %mul3A_318 = arith.mulf %gather3A_316, %gather3A_317 : vector<16xf32>
      %add3A_319 = arith.addf %add3A_307, %mul3A_318 : vector<16xf32>
      %gather3A_320 = tpu.vector_load_idx %arg8[%add3A_186, %broadcast_in_dim3A_315] : memref<512x32xf32, #tpu.memory_space<vmem>>[vector<16xi32>, vector<16xi32>], vector<16xf32>,
      %gather3A_321 = tpu.vector_load_idx %arg9[%add3A_186, %broadcast_in_dim3A_315] : memref<512x32xf32, #tpu.memory_space<vmem>>[vector<16xi32>, vector<16xi32>], vector<16xf32>,
      %mul3A_322 = arith.mulf %gather3A_320, %gather3A_321 : vector<16xf32>
      %add3A_323 = arith.addf %add3A_311, %mul3A_322 : vector<16xf32>
      %broadcast_in_dim3A_324 = arith.constant 22 : i32
      %broadcast_in_dim3A_325 = vector.broadcast %broadcast_in_dim3A_324 : i32 to vector<16xi32>
      %broadcast_in_dim3A_326 = arith.constant 23 : i32
      %broadcast_in_dim3A_327 = vector.broadcast %broadcast_in_dim3A_326 : i32 to vector<16xi32>
      %gather3A_328 = tpu.vector_load_idx %arg8[%add3A_186, %broadcast_in_dim3A_325] : memref<512x32xf32, #tpu.memory_space<vmem>>[vector<16xi32>, vector<16xi32>], vector<16xf32>,
      %gather3A_329 = tpu.vector_load_idx %arg9[%add3A_186, %broadcast_in_dim3A_325] : memref<512x32xf32, #tpu.memory_space<vmem>>[vector<16xi32>, vector<16xi32>], vector<16xf32>,
      %mul3A_330 = arith.mulf %gather3A_328, %gather3A_329 : vector<16xf32>
      %add3A_331 = arith.addf %add3A_319, %mul3A_330 : vector<16xf32>
      %gather3A_332 = tpu.vector_load_idx %arg8[%add3A_186, %broadcast_in_dim3A_327] : memref<512x32xf32, #tpu.memory_space<vmem>>[vector<16xi32>, vector<16xi32>], vector<16xf32>,
      %gather3A_333 = tpu.vector_load_idx %arg9[%add3A_186, %broadcast_in_dim3A_327] : memref<512x32xf32, #tpu.memory_space<vmem>>[vector<16xi32>, vector<16xi32>], vector<16xf32>,
      %mul3A_334 = arith.mulf %gather3A_332, %gather3A_333 : vector<16xf32>
      %add3A_335 = arith.addf %add3A_323, %mul3A_334 : vector<16xf32>
      %broadcast_in_dim3A_336 = arith.constant 24 : i32
      %broadcast_in_dim3A_337 = vector.broadcast %broadcast_in_dim3A_336 : i32 to vector<16xi32>
      %broadcast_in_dim3A_338 = arith.constant 25 : i32
      %broadcast_in_dim3A_339 = vector.broadcast %broadcast_in_dim3A_338 : i32 to vector<16xi32>
      %gather3A_340 = tpu.vector_load_idx %arg8[%add3A_186, %broadcast_in_dim3A_337] : memref<512x32xf32, #tpu.memory_space<vmem>>[vector<16xi32>, vector<16xi32>], vector<16xf32>,
      %gather3A_341 = tpu.vector_load_idx %arg9[%add3A_186, %broadcast_in_dim3A_337] : memref<512x32xf32, #tpu.memory_space<vmem>>[vector<16xi32>, vector<16xi32>], vector<16xf32>,
      %mul3A_342 = arith.mulf %gather3A_340, %gather3A_341 : vector<16xf32>
      %add3A_343 = arith.addf %add3A_331, %mul3A_342 : vector<16xf32>
      %gather3A_344 = tpu.vector_load_idx %arg8[%add3A_186, %broadcast_in_dim3A_339] : memref<512x32xf32, #tpu.memory_space<vmem>>[vector<16xi32>, vector<16xi32>], vector<16xf32>,
      %gather3A_345 = tpu.vector_load_idx %arg9[%add3A_186, %broadcast_in_dim3A_339] : memref<512x32xf32, #tpu.memory_space<vmem>>[vector<16xi32>, vector<16xi32>], vector<16xf32>,
      %mul3A_346 = arith.mulf %gather3A_344, %gather3A_345 : vector<16xf32>
      %add3A_347 = arith.addf %add3A_335, %mul3A_346 : vector<16xf32>
      %broadcast_in_dim3A_348 = arith.constant 26 : i32
      %broadcast_in_dim3A_349 = vector.broadcast %broadcast_in_dim3A_348 : i32 to vector<16xi32>
      %broadcast_in_dim3A_350 = arith.constant 27 : i32
      %broadcast_in_dim3A_351 = vector.broadcast %broadcast_in_dim3A_350 : i32 to vector<16xi32>
      %gather3A_352 = tpu.vector_load_idx %arg8[%add3A_186, %broadcast_in_dim3A_349] : memref<512x32xf32, #tpu.memory_space<vmem>>[vector<16xi32>, vector<16xi32>], vector<16xf32>,
      %gather3A_353 = tpu.vector_load_idx %arg9[%add3A_186, %broadcast_in_dim3A_349] : memref<512x32xf32, #tpu.memory_space<vmem>>[vector<16xi32>, vector<16xi32>], vector<16xf32>,
      %mul3A_354 = arith.mulf %gather3A_352, %gather3A_353 : vector<16xf32>
      %add3A_355 = arith.addf %add3A_343, %mul3A_354 : vector<16xf32>
      %gather3A_356 = tpu.vector_load_idx %arg8[%add3A_186, %broadcast_in_dim3A_351] : memref<512x32xf32, #tpu.memory_space<vmem>>[vector<16xi32>, vector<16xi32>], vector<16xf32>,
      %gather3A_357 = tpu.vector_load_idx %arg9[%add3A_186, %broadcast_in_dim3A_351] : memref<512x32xf32, #tpu.memory_space<vmem>>[vector<16xi32>, vector<16xi32>], vector<16xf32>,
      %mul3A_358 = arith.mulf %gather3A_356, %gather3A_357 : vector<16xf32>
      %add3A_359 = arith.addf %add3A_347, %mul3A_358 : vector<16xf32>
      %broadcast_in_dim3A_360 = arith.constant 28 : i32
      %broadcast_in_dim3A_361 = vector.broadcast %broadcast_in_dim3A_360 : i32 to vector<16xi32>
      %broadcast_in_dim3A_362 = arith.constant 29 : i32
      %broadcast_in_dim3A_363 = vector.broadcast %broadcast_in_dim3A_362 : i32 to vector<16xi32>
      %gather3A_364 = tpu.vector_load_idx %arg8[%add3A_186, %broadcast_in_dim3A_361] : memref<512x32xf32, #tpu.memory_space<vmem>>[vector<16xi32>, vector<16xi32>], vector<16xf32>,
      %gather3A_365 = tpu.vector_load_idx %arg9[%add3A_186, %broadcast_in_dim3A_361] : memref<512x32xf32, #tpu.memory_space<vmem>>[vector<16xi32>, vector<16xi32>], vector<16xf32>,
      %mul3A_366 = arith.mulf %gather3A_364, %gather3A_365 : vector<16xf32>
      %add3A_367 = arith.addf %add3A_355, %mul3A_366 : vector<16xf32>
      %gather3A_368 = tpu.vector_load_idx %arg8[%add3A_186, %broadcast_in_dim3A_363] : memref<512x32xf32, #tpu.memory_space<vmem>>[vector<16xi32>, vector<16xi32>], vector<16xf32>,
      %gather3A_369 = tpu.vector_load_idx %arg9[%add3A_186, %broadcast_in_dim3A_363] : memref<512x32xf32, #tpu.memory_space<vmem>>[vector<16xi32>, vector<16xi32>], vector<16xf32>,
      %mul3A_370 = arith.mulf %gather3A_368, %gather3A_369 : vector<16xf32>
      %add3A_371 = arith.addf %add3A_359, %mul3A_370 : vector<16xf32>
      %broadcast_in_dim3A_372 = arith.constant 30 : i32
      %broadcast_in_dim3A_373 = vector.broadcast %broadcast_in_dim3A_372 : i32 to vector<16xi32>
      %broadcast_in_dim3A_374 = arith.constant 31 : i32
      %broadcast_in_dim3A_375 = vector.broadcast %broadcast_in_dim3A_374 : i32 to vector<16xi32>
      %gather3A_376 = tpu.vector_load_idx %arg8[%add3A_186, %broadcast_in_dim3A_373] : memref<512x32xf32, #tpu.memory_space<vmem>>[vector<16xi32>, vector<16xi32>], vector<16xf32>,
      %gather3A_377 = tpu.vector_load_idx %arg9[%add3A_186, %broadcast_in_dim3A_373] : memref<512x32xf32, #tpu.memory_space<vmem>>[vector<16xi32>, vector<16xi32>], vector<16xf32>,
      %mul3A_378 = arith.mulf %gather3A_376, %gather3A_377 : vector<16xf32>
      %add3A_379 = arith.addf %add3A_367, %mul3A_378 : vector<16xf32>
      %gather3A_380 = tpu.vector_load_idx %arg8[%add3A_186, %broadcast_in_dim3A_375] : memref<512x32xf32, #tpu.memory_space<vmem>>[vector<16xi32>, vector<16xi32>], vector<16xf32>,
      %gather3A_381 = tpu.vector_load_idx %arg9[%add3A_186, %broadcast_in_dim3A_375] : memref<512x32xf32, #tpu.memory_space<vmem>>[vector<16xi32>, vector<16xi32>], vector<16xf32>,
      %mul3A_382 = arith.mulf %gather3A_380, %gather3A_381 : vector<16xf32>
      %add3A_383 = arith.addf %add3A_371, %mul3A_382 : vector<16xf32>
      %add3A_384 = arith.addf %add3A_379, %add3A_383 : vector<16xf32>
      %mul3A_385 = arith.constant 16 : i32
      %mul3A_386 = arith.muli %scan3A_182, %mul3A_385 : i32
      %swap3A = arith.index_cast %mul3A_386 : i32 to index
      %swap3A_387 = tpu.vector_load %arg14[%swap3A] {strides = array<i32>} : memref<512xf32, #tpu.memory_space<vmem>>, vector<16xf32>,
      tpu.vector_store %arg14[%swap3A], %add3A_384 {strides = array<i32>} : memref<512xf32, #tpu.memory_space<vmem>>, vector<16xf32>,
    }
    %scan3A_181 = arith.constant 32 : i32
    "tpu.region"() ({
      %run_scoped3A = tpu.sem_alloc : memref<!tpu.dma_semaphore, #tpu.memory_space<semaphore_mem>>
      %dma_start3A_182 = tpu.memref_slice %arg7[%mul3A_2] : memref<16384xf32, #tpu.memory_space<hbm>> -> memref<512xf32, #tpu.memory_space<hbm>>
      %dma_start3A_183 = tpu.memref_slice %arg7[%mul3A_2] : memref<16384xf32, #tpu.memory_space<hbm>> -> memref<512xf32, #tpu.memory_space<hbm>>
      tpu.enqueue_dma source(%arg14 : memref<512xf32, #tpu.memory_space<vmem>>) target(%dma_start3A_183 : memref<512xf32, #tpu.memory_space<hbm>>) target_semaphore(%run_scoped3A : memref<!tpu.dma_semaphore, #tpu.memory_space<semaphore_mem>>)
      %dma_wait3A_184 = tpu.memref_slice %arg7[%mul3A_2] : memref<16384xf32, #tpu.memory_space<hbm>> -> memref<512xf32, #tpu.memory_space<hbm>>
      %dma_wait3A_185 = tpu.memref_slice %arg7[%mul3A_2] : memref<16384xf32, #tpu.memory_space<hbm>> -> memref<512xf32, #tpu.memory_space<hbm>>
      tpu.wait_dma2 semaphore(%run_scoped3A : memref<!tpu.dma_semaphore, #tpu.memory_space<semaphore_mem>>) src(%arg14 : memref<512xf32, #tpu.memory_space<vmem>>) dst(%dma_wait3A_185 : memref<512xf32, #tpu.memory_space<hbm>>)
      tpu.yield
    }) : () -> ()
    return
  }
}

</mosaic_0001>

<sc_bundles>
// kernel: _bpr_sc.3.cloned.1.call-start
scs
__scs_entry_jumppad:
0x0: {  	(pc) =	sbr.rel $0x88, $3  }
0x1: {  	(tag) =	ssettag $0x0;
	lr =	simm.s32 $0x1  }
0x2: {  	[smem:$0x3F9C] =	sst lr;
	_ =	strace $0xD0000000  }
0x3: {  	_ = 	snop  }
0x4: {  	_ = 	snop  }
0x5: {  	_ = 	snop  }
0x6: {  	_ = 	snop  }
0x7: {  	_ = 	snop  }
__scs_overlays_trampoline_lowered:
0x8: {  	[smem:$0x3FAB] =	sst s0  }
0x9: {  	[smem:$0x3FAC] =	sst s1  }
0xa: {  	[smem:$0x3FAD] =	sst s2  }
0xb: {  	[smem:$0x3FAE] =	sst s3  }
0xc: {  	[smem:$0x3FAF] =	sst s4  }
0xd: {  	[smem:$0x3FB0] =	sst s5  }
0xe: {  	[smem:$0x3FB1] =	sst s6  }
0xf: {  	[smem:$0x3FB2] =	sst s7  }
0x10: {  	[smem:$0x3FB3] =	sst s8  }
0x11: {  	[smem:$0x3FB4] =	sst s9;
	s0 =	simm.s32 @!p0 $0x0  }
0x12: {  	s1 =	sld [smem:$0x3F9A];
	s0 =	simm.s32 @p0 $0x1  }
0x13: {  	[smem:$0x3FB5] =	sst s0;
	s0 =	simm.s32 @!p1 $0x0  }
0x14: {  	s2 =	sld [smem:$0x3F99];
	s0 =	simm.s32 @p1 $0x1  }
0x15: {  	[smem:$0x3FB6] =	sst s0;
	s0 =	simm.s32 @!p2 $0x0  }
0x16: {  	s3 =	sld [smem:$0x3FDB];
	s0 =	simm.s32 @p2 $0x1  }
0x17: {  	s4 =	simm.s32 $0x1BF5;
	[smem:$0x3FB8] =	sst s0  }
0x18: {  	s0 =	sld [smem:$0x3F9B];
	_ =	swait.ge [sflag:s4], $0x0  }
0x19: {  	s7 =	sld [smem:$0x3F9C]  }
0x1a: {  	s8 =	sadd.s32 $0xFFFFE003, lr  }
0x1b: {  	s9 =	sadd.s32 $0xFFFFFEF7, lr;
	s5 =	simm.s32 $0xFFFFFFFF;
	p2 =	slt.u32 s8, $0xFFFFF086  }
0x1c: {  	p1 =	slt.u32 s9, $0xF7A;
	s5 =	simm.s32 @!p2 $0x0  }
0x1d: {  	s5 =	simm.s32 @p1 $0x1;
	p0 =	seq.s32 s7, s2  }
0x1e: {  	s7 =	smul.u32 @!p0 $0xF7A, s2;
	p2 =	seq.s32 @!p0 s5, $0x0  }
0x1f: {  	s9 =	smul.u32 $0xF7A, s1;
	s8 =	simm.s32 @!p0 $0x1BF5;
	p2 =	por !p2, p0  }
0x20: {  	[sflag:s8] =	ssyncset.s32 @!p0 $0xFFFFF086;
	s6 =	sadd.s32 @!p0 s3, s7;
	s7 =	simm.s32 @!p0 $0x108  }
0x21: {  	s3 =	sadd.s32 s3, s9;
	s6 =	sadd.s32 @!p0 $0x88, s6;
	s7 =	simm.s32 @p2 $0x1082  }
0x22: {  	[simem:s7], [sflag:s8] =	dma.local @!p0 [hbm:s6], $0xF7A  }
0x23: {  	s9 =	sor.u32 $0xD0000000, s2;
	s6 =	simm.s32 $0x108;
	_ =	swait.ge @!p0 [sflag:s8], $0x0  }
0x24: {  	s3 =	sadd.s32 $0x88, s3;
	s6 =	simm.s32 @!p1 $0x1082;
	[sflag:s4] =	ssyncset.s32 $0xFFFFF086  }
0x25: {  	[simem:s6], [sflag:s4] =	dma.local [hbm:s3], $0xF7A  }
0x26: {  	[smem:$0x3F9C] =	sst s1;
	(tag) =	ssettag s2;
	_ =	strace s9  }
0x27: {  	s1 =	sld [smem:$0x3FAC]  }
0x28: {  	s2 =	sld [smem:$0x3FAD]  }
0x29: {  	s4 =	sld [smem:$0x3FAF]  }
0x2a: {  	p0 =	seq.s32 s5, $0x0;
	s5 =	sld [smem:$0x3FB0]  }
0x2b: {  	s6 =	sld [smem:$0x3FB1]  }
0x2c: {  	s7 =	sld [smem:$0x3FB2]  }
0x2d: {  	s3 =	simm.s32 $0x108;
	s8 =	sld [smem:$0x3FB3]  }
0x2e: {  	s3 =	simm.s32 @!p0 $0x1082;
	s9 =	sld [smem:$0x3FB4]  }
0x2f: {  	lr =	sadd.s32 s0, s3;
	s0 =	sld [smem:$0x3FAB]  }
0x30: {  	s3 =	sld [smem:$0x3FAE]  }
0x31: {  	[smem:$0x3FB7] =	sst s10  }
0x32: {  	s10 =	sld [smem:$0x3FB5];
	_ =	sdelay $0x3  }
0x33: {  	p0 =	seq.s32 s10, $0x1;
	s10 =	sld [smem:$0x3FB7];
	_ =	sdelay $0x3  }
0x34: {  	[smem:$0x3FB7] =	sst s10  }
0x35: {  	s10 =	sld [smem:$0x3FB6];
	_ =	sdelay $0x3  }
0x36: {  	p1 =	seq.s32 s10, $0x1;
	s10 =	sld [smem:$0x3FB7];
	_ =	sdelay $0x3  }
0x37: {  	[smem:$0x3FB7] =	sst s10  }
0x38: {  	s10 =	sld [smem:$0x3FB8]  }
0x39: {  	_ = 	snop;
	(pc) =	sbr.ind lr, $3  }
0x3a: {  	_ = 	snop  }
0x3b: {  	_ = 	snop  }
0x3c: {  	p2 =	seq.s32 s10, $0x1;
	s10 =	sld [smem:$0x3FB7]  }
0x3d: {  	_ =	shalt  }
0x3e: {  	_ =	shalt  }
0x3f: {  	_ =	shalt  }
0x40: {  	_ =	shalt  }
0x41: {  	_ =	shalt  }
0x42: {  	_ =	shalt  }
0x43: {  	_ =	shalt  }
0x44: {  	_ =	shalt  }
0x45: {  	_ =	shalt  }
0x46: {  	_ =	shalt  }
0x47: {  	_ =	shalt  }
0x48: {  	_ =	shalt  }
0x49: {  	_ =	shalt  }
0x4a: {  	_ =	shalt  }
0x4b: {  	_ =	shalt  }
0x4c: {  	_ =	shalt  }
0x4d: {  	_ =	shalt  }
0x4e: {  	_ =	shalt  }
0x4f: {  	_ =	shalt  }
0x50: {  	_ =	shalt  }
0x51: {  	_ =	shalt  }
0x52: {  	_ =	shalt  }
0x53: {  	_ =	shalt  }
0x54: {  	_ =	shalt  }
0x55: {  	_ =	shalt  }
0x56: {  	_ =	shalt  }
0x57: {  	_ =	shalt  }
0x58: {  	_ =	shalt  }
0x59: {  	_ =	shalt  }
0x5a: {  	_ =	shalt  }
0x5b: {  	_ =	shalt  }
0x5c: {  	_ =	shalt  }
0x5d: {  	_ =	shalt  }
0x5e: {  	_ =	shalt  }
0x5f: {  	_ =	shalt  }
0x60: {  	_ =	shalt  }
0x61: {  	_ =	shalt  }
0x62: {  	_ =	shalt  }
0x63: {  	_ =	shalt  }
0x64: {  	_ =	shalt  }
0x65: {  	_ =	shalt  }
0x66: {  	_ =	shalt  }
0x67: {  	_ =	shalt  }
0x68: {  	_ =	shalt  }
0x69: {  	_ =	shalt  }
0x6a: {  	_ =	shalt  }
0x6b: {  	_ =	shalt  }
0x6c: {  	_ =	shalt  }
0x6d: {  	_ =	shalt  }
0x6e: {  	_ =	shalt  }
0x6f: {  	_ =	shalt  }
0x70: {  	_ =	shalt  }
0x71: {  	_ =	shalt  }
0x72: {  	_ =	shalt  }
0x73: {  	_ =	shalt  }
0x74: {  	_ =	shalt  }
0x75: {  	_ =	shalt  }
0x76: {  	_ =	shalt  }
0x77: {  	_ =	shalt  }
0x78: {  	_ =	shalt  }
0x79: {  	_ =	shalt  }
0x7a: {  	_ =	shalt  }
0x7b: {  	_ =	shalt  }
0x7c: {  	_ =	shalt  }
0x7d: {  	_ =	shalt  }
0x7e: {  	_ =	shalt  }
0x7f: {  	_ =	shalt  }
0x80: {  	_ =	shalt  }
0x81: {  	_ =	shalt  }
0x82: {  	_ =	shalt  }
0x83: {  	_ =	shalt  }
0x84: {  	_ =	shalt  }
0x85: {  	_ =	shalt  }
0x86: {  	_ =	shalt  }
0x87: {  	_ =	shalt  }
.Lfunc_end0:
.L_simem_size_0:
called_computation_lowered:
.L_overlay_start_0:
0x88: {  	s2 =	sld [smem:$0x3FD9]  }
0x89: {  	s3 =	sld [smem:$0x3FFE];
	_ =	sdelay $0x1  }
0x8a: {  	s1 =	srdreg.scid  }
0x8b: {  	s0 =	sand.u32 $0x1, s1  }
0x8c: {  	s17 =	sshll.u32 s0, $0xA;
	s2 =	sadd.s32 s3, s2  }
0x8d: {  	s2 =	sadd.s32 s2, s17  }
0x8e: {  	[smem:$0x3FC3] =	sst s2  }
0x8f: {  	_ = 	snop  }
0x90: {  	s2 =	sld [smem:$0x3FC7]  }
0x91: {  	s18 =	sld [smem:$0x3FC6]  }
0x92: {  	s4 =	sld [smem:$0x3FD0];
	(tm) =	ssettm $0x1  }
0x93: {  	s5 =	sld [smem:$0x3FFB];
	_ =	sdelay $0x3  }
0x94: {  	_ =	strace s5  }
0x95: {  	s5 =	sld [smem:$0x3FFC];
	_ =	sdelay $0x3  }
0x96: {  	_ =	strace s5  }
0x97: {  	s5 =	sld [smem:$0x3FFD];
	_ =	sdelay $0x3  }
0x98: {  	_ =	strace s5  }
0x99: {  	_ =	strace $0x8FFFFFFF  }
0x9a: {  	s19 =	sld [smem:$0x3FDB];
	_ =	sdelay $0x1  }
0x9b: {  	s6 =	simm.s32 $_scs_section_size  }
0x9c: {  	s7 =	simm.s32 $_size__tile_overlayer_lowered;
	s8 =	simm.s32 $_tile_overlayer_lowered  }
0x9d: {  	s22 =	simm.s32 $0x1BFF;
	s21 =	sshll.u32 s8, $0x1;
	s5 =	sadd.s32 s6, s19  }
0x9e: {  	s9 =	simm.s32 $0x0;
	s20 =	sshll.u32 s7, $0x1;
	s7 =	sadd.s32 s21, s5  }
0x9f: {  	[timem:s9], [sflag:s22] =	dma.local [hbm:s7], s20  }
0xa0: {  	_ =	swait.ge [sflag:s22], s20  }
0xa1: {  	s6 =	ssub.s32 $0x0, s20;
	[sflag:s22] =	ssyncset.done $0x0  }
0xa2: {  	[sflag:s22] =	ssyncadd.s32 s6;
	_ =	sdelay $0x1  }
0xa3: {  	s23 =	simm.s32 $0x1B8B  }
0xa4: {  	_ =	swait.ge [sflag:s23], $0x1  }
0xa5: {  	[sflag:s23] =	ssyncset.done $0x0  }
0xa6: {  	s25 =	simm.s32 $0x1B8E;
	s24 =	sld [smem:$0x3FFE];
	[sflag:s23] =	ssyncadd.s32 $0xFFFFFFFF  }
0xa7: {  	s26 =	simm.s32 $execute0_lowered;
	[smem:$0x3FD2] =	sst s25  }
0xa8: {  	s7 =	sshll.u32 s26, $0x1;
	_ =	strace $0x80000046;
	[dreg:$0x1] =	wrdreg $0xFFFFFFFF  }
0xa9: {  	s28 =	simm.s32 $_size_execute0_lowered;
	s5 =	sadd.s32 s5, s7;
	[dreg:$0x0] =	wrdreg $0x0  }
0xaa: {  	s7 =	sshll.u32 s28, $0x1;
	[dreg:$0x2] =	wrdreg s5  }
0xab: {  	[dreg:$0x3] =	wrdreg s7  }
0xac: {  	[dreg:$0x4] =	wrdreg $0xC0  }
0xad: {  	_ =	task [dreg:s9], $0x5FFFF  }
0xae: {  	[dreg:$0x1] =	wrdreg $0xFFFFFFFF  }
0xaf: {  	[dreg:$0x0] =	wrdreg $0x60  }
0xb0: {  	[dreg:$0x2] =	wrdreg s24  }
0xb1: {  	[dreg:$0x3] =	wrdreg s2  }
0xb2: {  	[dreg:$0x4] =	wrdreg s18  }
0xb3: {  	[dreg:$0x5] =	wrdreg s4  }
0xb4: {  	[dreg:$0x6] =	wrdreg $0x9  }
0xb5: {  	_ =	task.clear_ibuf [dreg:s9], $0x7FFFF;
	_ =	strace $0x90000046  }
0xb6: {  	s29 =	simm.s32 $0x9;
	_ =	strace $0x80000048  }
0xb7: {  	_ =	swait.ge [sflag:s29], $0x1  }
0xb8: {  	[sflag:s29] =	ssyncadd.s32 $0xFFFFFFFF  }
0xb9: {  	_ =	strace $0x90000048  }
0xba: {  	_ =	sfence  }
0xbb: {  	s30 =	sld [smem:$0x0];
	_ =	sdelay $0x2  }
0xbc: {  	s31 =	sshll.u32 s1, $0xD;
	s1 =	sshrl.u32 s1, $0x2  }
0xbd: {  	s3 =	sand.u32 $0x4000, s31;
	s1 =	sadd.s32 s1, s30  }
0xbe: {  	s0 =	sor.u32 s3, s0;
	s1 =	sshll.u32 s1, $0x11  }
0xbf: {  	s0 =	sor.u32 s1, s0  }
0xc0: {  	s0 =	sadd.s32 $0x8F2B, s0  }
0xc1: {  	[sflag:s0] =	ssyncadd.remote.s32 $0x1  }
0xc2: {  	_ =	sfence.sel $0xFFFF  }
0xc3: {  	[dreg:$0x0] =	wrdreg $0xFFFFFFFF;
	(pc) =	sbr.abs _section_cstart, $3  }
0xc4: {  	[dreg:$0x1] =	wrdreg $0xFFFFFFFF  }
0xc5: {  	_ =	task.clear_ibuf [dreg:s9], $0x2FFFF;
	_ =	strace $0x9FFFFFFF  }
0xc6: {  	(tm) =	ssettm $0x7FFFFFFF  }
0xc7: {  	_ =	shalt  }
tec
execute0_lowered:
.L_overlay_start_1:
0x0: {  	(tag) =	ssettag $0x1  }
0x1: {  	s0 =	rddreg [dreg:$0x0]  }
0x2: {  	s1 =	rddreg [dreg:$0x1]  }
0x3: {  	s2 =	srdreg.scid;
	s5 =	rddreg [dreg:$0x2]  }
0x4: {  	s4 =	stileid.u32;
	s9 =	rddreg [dreg:$0x3]  }
0x5: {  	s12 =	simm.s32 $0x2;
	s13 =	simm.s32 $0x8200;
	s14 =	simm.s32 $0x4000  }
0x6: {  	s15 =	simm.s32 $0x80;
	s18 =	simm.s32 $0x8280;
	s19 =	simm.s32 $0x8680  }
0x7: {  	s20 =	simm.s32 $0x8100;
	s21 =	simm.s32 $0x8500;
	s22 =	simm.s32 $0x8300  }
0x8: {  	s23 =	simm.s32 $0x8700;
	s24 =	simm.s32 $0x8180;
	s25 =	simm.s32 $0x8580  }
0x9: {  	s28 =	simm.s32 $0x8780;
	s29 =	simm.s32 $0x1;
	s30 =	simm.s32 $0x8800  }
0xa: {  	s31 =	simm.s32 $0x0;
	s3 =	sand.u32 $0x1, s2;
	s2 =	simm.s32 $0x0  }
0xb: {  	s4 =	sshll.u32 s4, $0xA;
	s6 =	sshll.u32 s3, $0x9;
	[smem:$0x7FF] =	sst s2  }
0xc: {  	s7 =	ssub.s32 $0x2, s3;
	s3 =	sadd.s32 $0x20E00, s0;
	s4 =	sor.u32 s6, s4  }
0xd: {  	_ =	strace $0x80000047;
	s26 =	sshrl.u32 s7, $0x1;
	s6 =	sshll.u32 s4, $0x2  }
0xe: {  	s10 =	ssub.s32 s7, s26;
	s11 =	sshrl.u32 s4, $0x3;
	s26 =	simm.s32 $0x8380  }
0xf: {  	s8 =	sadd.s32 s6, s0;
	s4 =	sadd.s32 s1, s11;
	s5 =	sadd.s32 s5, s11  }
0x10: {  	v0 =	vlaneseq.u32;
	s9 =	sadd.s32 s9, s11;
	s10 =	smax.u32 s10, $0x1;
	s11 =	simm.s32 $0x8000  }
0x11: {  	v0 =	vmul.u32 $0x20, v0;
	s6 =	sadd.s32 $0x10E00, s8;
	s7 =	sadd.s32 $0xE00, s8;
	s8 =	sadd.s32 $0x3F648, s0  }
.LBB2_1:
0x12: {  	[tilespmem:s11], [sflag:$0x2] =	stream.linear.gather [hbm4b:s4+s2], $0x200, $0x38;
	[tilespmem:$0x8A00] =	vst v63  }
0x13: {  	_ =	swait.ge [sflag:s12], $0x200  }
0x14: {  	[sflag:s12] =	ssyncset.done $0x0  }
0x15: {  	[sflag:s12] =	ssyncadd.s32 $0xFFFFFE00  }
0x16: {  	[tilespmem:s13], [sflag:$0x2] =	stream.linear.gather [hbm4b:s5+s2], $0x200, $0x38;
	[tilespmem:$0x8A00] =	vst v63  }
0x17: {  	_ =	swait.ge [sflag:s12], $0x200  }
0x18: {  	[sflag:s12] =	ssyncset.done $0x0  }
0x19: {  	[sflag:s12] =	ssyncadd.s32 $0xFFFFFE00  }
0x1a: {  	[tilespmem:s2], [sflag:$0x1] =	stream.linear.gather [hbm4b:s6+s2], $0x4000, $0x38;
	[tilespmem:$0x8A00] =	vst v63  }
0x1b: {  	_ = 	snop  }
0x1c: {  	[tilespmem:s14], [sflag:$0x1] =	stream.linear.gather [hbm4b:s7+s2], $0x4000, $0x38;
	[tilespmem:$0x8A00] =	vst v63  }
0x1d: {  	s0 =	simm.s32 $0x8400  }
0x1e: {  	[tilespmem:s0], [sflag:$0x1] =	stream.indirect.gather [hbm4b:s3+s15], $0x1, s11, s15, $0xb8;
	[tilespmem:$0x8A00] =	vst v63  }
0x1f: {  	s1 =	simm.s32 $0x8600  }
0x20: {  	[tilespmem:s1], [sflag:$0x1] =	stream.indirect.gather [hbm4b:s8+s15], $0x1, s13, s15, $0xb8;
	[tilespmem:$0x8A00] =	vst v63  }
0x21: {  	s16 =	simm.s32 $0x8080;
	s17 =	simm.s32 $0x8480  }
0x22: {  	[tilespmem:s17], [sflag:$0x1] =	stream.indirect.gather [hbm4b:s3+s15], $0x1, s16, s15, $0xb8;
	[tilespmem:$0x8A00] =	vst v63  }
0x23: {  	_ = 	snop  }
0x24: {  	[tilespmem:s19], [sflag:$0x1] =	stream.indirect.gather [hbm4b:s8+s15], $0x1, s18, s15, $0xb8;
	[tilespmem:$0x8A00] =	vst v63  }
0x25: {  	_ = 	snop  }
0x26: {  	[tilespmem:s21], [sflag:$0x1] =	stream.indirect.gather [hbm4b:s3+s15], $0x1, s20, s15, $0xb8;
	[tilespmem:$0x8A00] =	vst v63  }
0x27: {  	_ = 	snop  }
0x28: {  	[tilespmem:s23], [sflag:$0x1] =	stream.indirect.gather [hbm4b:s8+s15], $0x1, s22, s15, $0xb8;
	[tilespmem:$0x8A00] =	vst v63  }
0x29: {  	_ = 	snop  }
0x2a: {  	[tilespmem:s25], [sflag:$0x1] =	stream.indirect.gather [hbm4b:s3+s15], $0x1, s24, s15, $0xb8;
	[tilespmem:$0x8A00] =	vst v63  }
0x2b: {  	_ = 	snop  }
0x2c: {  	[tilespmem:s28], [sflag:$0x1] =	stream.indirect.gather [hbm4b:s8+s15], $0x1, s26, s15, $0xb8;
	[tilespmem:$0x8A00] =	vst v63  }
0x2d: {  	_ =	swait.ge [sflag:s29], $0x4000  }
0x2e: {  	[sflag:s29] =	ssyncset.done $0x0  }
0x2f: {  	[sflag:s29] =	ssyncadd.s32 $0xFFFFC000  }
0x30: {  	_ =	swait.ge [sflag:s29], $0x4000  }
0x31: {  	[sflag:s29] =	ssyncset.done $0x0  }
0x32: {  	[sflag:s29] =	ssyncadd.s32 $0xFFFFC000  }
0x33: {  	_ =	swait.ge [sflag:s29], $0x80  }
0x34: {  	[sflag:s29] =	ssyncset.done $0x0  }
0x35: {  	[sflag:s29] =	ssyncadd.s32 $0xFFFFFF80  }
0x36: {  	_ =	swait.ge [sflag:s29], $0x80  }
0x37: {  	[sflag:s29] =	ssyncset.done $0x0  }
0x38: {  	[sflag:s29] =	ssyncadd.s32 $0xFFFFFF80  }
0x39: {  	_ =	swait.ge [sflag:s29], $0x80  }
0x3a: {  	[sflag:s29] =	ssyncset.done $0x0  }
0x3b: {  	[sflag:s29] =	ssyncadd.s32 $0xFFFFFF80  }
0x3c: {  	_ =	swait.ge [sflag:s29], $0x80  }
0x3d: {  	[sflag:s29] =	ssyncset.done $0x0  }
0x3e: {  	[sflag:s29] =	ssyncadd.s32 $0xFFFFFF80  }
0x3f: {  	_ =	swait.ge [sflag:s29], $0x80  }
0x40: {  	[sflag:s29] =	ssyncset.done $0x0  }
0x41: {  	[sflag:s29] =	ssyncadd.s32 $0xFFFFFF80  }
0x42: {  	_ =	swait.ge [sflag:s29], $0x80  }
0x43: {  	v1 =	vmov s2;
	[sflag:s29] =	ssyncset.done $0x0  }
0x44: {  	v1 =	vshll.u32 v1, $0x5;
	[sflag:s29] =	ssyncadd.s32 $0xFFFFFF80  }
0x45: {  	v7 =	vor.u32 v0, v1;
	_ =	swait.ge [sflag:s29], $0x80  }
0x46: {  	v2 =	vor.u32 $0x1E, v7;
	[sflag:s29] =	ssyncset.done $0x0  }
0x47: {  	[sflag:s29] =	ssyncadd.s32 $0xFFFFFF80  }
0x48: {  	v4 =	vor.u32 $0x1C, v7;
	_ =	swait.ge [sflag:s29], $0x80  }
0x49: {  	[sflag:s29] =	ssyncset.done $0x0  }
0x4a: {  	v6 =	vor.u32 $0x1A, v7;
	[sflag:s29] =	ssyncadd.s32 $0xFFFFFF80  }
0x4b: {  	v1 =	vld.idx.msk [tilespmem:v2+s2+$0x0], $0xffff  }
0x4c: {  	v9 =	vor.u32 $0x18, v7;
	v2 =	vld.idx.msk [tilespmem:v2+s14+$0x0], $0xffff  }
0x4d: {  	v3 =	vld.idx.msk [tilespmem:v4+s2+$0x0], $0xffff  }
0x4e: {  	v10 =	vor.u32 $0x16, v7;
	v4 =	vld.idx.msk [tilespmem:v4+s14+$0x0], $0xffff  }
0x4f: {  	v5 =	vld.idx.msk [tilespmem:v6+s2+$0x0], $0xffff  }
0x50: {  	v11 =	vor.u32 $0x14, v7;
	v6 =	vld.idx.msk [tilespmem:v6+s14+$0x0], $0xffff  }
0x51: {  	v8 =	vld.idx.msk [tilespmem:v9+s2+$0x0], $0xffff  }
0x52: {  	v12 =	vor.u32 $0x12, v7;
	v9 =	vld.idx.msk [tilespmem:v9+s14+$0x0], $0xffff  }
0x53: {  	v13 =	vld.idx.msk [tilespmem:v10+s2+$0x0], $0xffff  }
0x54: {  	v14 =	vor.u32 $0x10, v7;
	v10 =	vld.idx.msk [tilespmem:v10+s14+$0x0], $0xffff  }
0x55: {  	v15 =	vld.idx.msk [tilespmem:v11+s2+$0x0], $0xffff  }
0x56: {  	v16 =	vor.u32 $0xE, v7;
	v11 =	vld.idx.msk [tilespmem:v11+s14+$0x0], $0xffff  }
0x57: {  	v17 =	vld.idx.msk [tilespmem:v12+s2+$0x0], $0xffff  }
0x58: {  	v18 =	vor.u32 $0xC, v7;
	v12 =	vld.idx.msk [tilespmem:v12+s14+$0x0], $0xffff  }
0x59: {  	v19 =	vld.idx.msk [tilespmem:v14+s2+$0x0], $0xffff  }
0x5a: {  	v20 =	vor.u32 $0xA, v7;
	v14 =	vld.idx.msk [tilespmem:v14+s14+$0x0], $0xffff  }
0x5b: {  	v21 =	vld.idx.msk [tilespmem:v16+s2+$0x0], $0xffff  }
0x5c: {  	v22 =	vor.u32 $0x8, v7;
	v16 =	vld.idx.msk [tilespmem:v16+s14+$0x0], $0xffff  }
0x5d: {  	v23 =	vld.idx.msk [tilespmem:v18+s2+$0x0], $0xffff  }
0x5e: {  	v24 =	vor.u32 $0x6, v7;
	v18 =	vld.idx.msk [tilespmem:v18+s14+$0x0], $0xffff  }
0x5f: {  	v25 =	vld.idx.msk [tilespmem:v20+s2+$0x0], $0xffff  }
0x60: {  	v26 =	vor.u32 $0x4, v7;
	v20 =	vld.idx.msk [tilespmem:v20+s14+$0x0], $0xffff  }
0x61: {  	v27 =	vld.idx.msk [tilespmem:v22+s2+$0x0], $0xffff  }
0x62: {  	v22 =	vld.idx.msk [tilespmem:v22+s14+$0x0], $0xffff  }
0x63: {  	v29 =	vor.u32 $0x2, v7;
	v28 =	vld.idx.msk [tilespmem:v24+s2+$0x0], $0xffff  }
0x64: {  	v24 =	vld.idx.msk [tilespmem:v24+s14+$0x0], $0xffff  }
0x65: {  	v30 =	vld.idx.msk [tilespmem:v26+s2+$0x0], $0xffff  }
0x66: {  	v26 =	vld.idx.msk [tilespmem:v26+s14+$0x0], $0xffff  }
0x67: {  	v32 =	vor.u32 $0x1, v7;
	v31 =	vld [tilespmem:s0+$0x0]  }
0x68: {  	v33 =	vld.idx.msk [tilespmem:v29+s2+$0x0], $0xffff  }
0x69: {  	v34 =	vor.u32 $0x3, v7;
	v29 =	vld.idx.msk [tilespmem:v29+s14+$0x0], $0xffff  }
0x6a: {  	v35 =	vld.idx.msk [tilespmem:v7+s2+$0x0], $0xffff  }
0x6b: {  	v36 =	vld.idx.msk [tilespmem:v7+s14+$0x0], $0xffff  }
0x6c: {  	v37 =	vor.u32 $0x5, v7;
	v38 =	vld.idx.msk [tilespmem:v32+s2+$0x0], $0xffff  }
0x6d: {  	v32 =	vld.idx.msk [tilespmem:v32+s14+$0x0], $0xffff  }
0x6e: {  	v39 =	vor.u32 $0x7, v7;
	v40 =	vld.idx.msk [tilespmem:v34+s2+$0x0], $0xffff  }
0x6f: {  	v34 =	vld.idx.msk [tilespmem:v34+s14+$0x0], $0xffff  }
0x70: {  	v41 =	vor.u32 $0x9, v7;
	v42 =	vld [tilespmem:s1+$0x0]  }
0x71: {  	v43 =	vld.idx.msk [tilespmem:v37+s2+$0x0], $0xffff  }
0x72: {  	v44 =	vor.u32 $0xB, v7;
	v37 =	vld.idx.msk [tilespmem:v37+s14+$0x0], $0xffff  }
0x73: {  	v45 =	vld.idx.msk [tilespmem:v39+s2+$0x0], $0xffff;
	v35 =	vmul.f32 v36, v35;
	v32 =	vmul.f32 v32, v38  }
0x74: {  	v54 =	vor.u32 $0xD, v7;
	v53 =	vld.idx.msk [tilespmem:v39+s14+$0x0], $0xffff;
	v29 =	vmul.f32 v29, v33  }
0x75: {  	v55 =	vld.idx.msk [tilespmem:v41+s2+$0x0], $0xffff;
	v34 =	vmul.f32 v34, v40;
	v31 =	vadd.f32 v35, v31;
	v32 =	vadd.f32 v32, v42  }
0x76: {  	v56 =	vor.u32 $0xF, v7;
	v57 =	vld.idx.msk [tilespmem:v41+s14+$0x0], $0xffff;
	v26 =	vmul.f32 v26, v30  }
0x77: {  	v60 =	vld.idx.msk [tilespmem:v44+s14+$0x0], $0xffff;
	v58 =	vmul.f32 v37, v43;
	v29 =	vadd.f32 v29, v31;
	v31 =	vadd.f32 v34, v32  }
0x78: {  	v59 =	vor.u32 $0x11, v7;
	v30 =	vld.idx.msk [tilespmem:v44+s2+$0x0], $0xffff;
	v24 =	vmul.f32 v24, v28  }
0x79: {  	v62 =	vld.idx.msk [tilespmem:v54+s14+$0x0], $0xffff;
	v26 =	vadd.f32 v26, v29;
	v29 =	vadd.f32 v58, v31;
	v31 =	vmul.f32 v53, v45  }
0x7a: {  	v61 =	vor.u32 $0x13, v7;
	v28 =	vld.idx.msk [tilespmem:v54+s2+$0x0], $0xffff;
	v22 =	vmul.f32 v22, v27  }
0x7b: {  	v63 =	vld.idx.msk [tilespmem:v56+s14+$0x0], $0xffff;
	v24 =	vadd.f32 v24, v26;
	v26 =	vadd.f32 v31, v29;
	v29 =	vmul.f32 v57, v55  }
0x7c: {  	v27 =	vld.idx.msk [tilespmem:v56+s2+$0x0], $0xffff;
	v20 =	vmul.f32 v20, v25;
	v31 =	vor.u32 $0x15, v7  }
0x7d: {  	v25 =	vld.idx.msk [tilespmem:v59+s2+$0x0], $0xffff;
	v22 =	vadd.f32 v22, v24;
	v24 =	vadd.f32 v29, v26;
	v26 =	vmul.f32 v60, v30  }
0x7e: {  	v18 =	vmul.f32 v18, v23;
	v29 =	vor.u32 $0x17, v7;
	v30 =	vld.idx.msk [tilespmem:v59+s14+$0x0], $0xffff  }
0x7f: {  	v23 =	vld.idx.msk [tilespmem:v61+s2+$0x0], $0xffff;
	v20 =	vadd.f32 v20, v22;
	v22 =	vadd.f32 v26, v24;
	v24 =	vmul.f32 v62, v28  }
0x80: {  	v16 =	vmul.f32 v16, v21;
	v26 =	vor.u32 $0x19, v7;
	v28 =	vld.idx.msk [tilespmem:v61+s14+$0x0], $0xffff  }
0x81: {  	v21 =	vld.idx.msk [tilespmem:v31+s2+$0x0], $0xffff;
	v18 =	vadd.f32 v18, v20;
	v20 =	vadd.f32 v24, v22;
	v22 =	vmul.f32 v63, v27  }
0x82: {  	v14 =	vmul.f32 v14, v19;
	v24 =	vor.u32 $0x1B, v7;
	v27 =	vld.idx.msk [tilespmem:v31+s14+$0x0], $0xffff  }
0x83: {  	v19 =	vld.idx.msk [tilespmem:v29+s2+$0x0], $0xffff;
	v16 =	vadd.f32 v16, v18;
	v18 =	vadd.f32 v22, v20;
	v20 =	vmul.f32 v30, v25  }
0x84: {  	v12 =	vmul.f32 v12, v17;
	v22 =	vor.u32 $0x1D, v7;
	v25 =	vld.idx.msk [tilespmem:v29+s14+$0x0], $0xffff  }
0x85: {  	v17 =	vld.idx.msk [tilespmem:v26+s2+$0x0], $0xffff;
	v14 =	vadd.f32 v14, v16;
	v16 =	vadd.f32 v20, v18;
	v18 =	vmul.f32 v28, v23  }
0x86: {  	v11 =	vmul.f32 v11, v15;
	v7 =	vor.u32 $0x1F, v7;
	v20 =	vld.idx.msk [tilespmem:v26+s14+$0x0], $0xffff  }
0x87: {  	v15 =	vld.idx.msk [tilespmem:v24+s2+$0x0], $0xffff;
	v12 =	vadd.f32 v12, v14;
	v14 =	vadd.f32 v18, v16;
	v16 =	vmul.f32 v27, v21  }
0x88: {  	v10 =	vmul.f32 v10, v13;
	v18 =	vld.idx.msk [tilespmem:v24+s14+$0x0], $0xffff  }
0x89: {  	v13 =	vld.idx.msk [tilespmem:v22+s2+$0x0], $0xffff;
	v11 =	vadd.f32 v11, v12;
	v12 =	vadd.f32 v16, v14;
	v14 =	vmul.f32 v25, v19  }
0x8a: {  	v8 =	vmul.f32 v9, v8;
	v16 =	vld.idx.msk [tilespmem:v22+s14+$0x0], $0xffff  }
0x8b: {  	v9 =	vld.idx.msk [tilespmem:v7+s2+$0x0], $0xffff;
	v10 =	vadd.f32 v10, v11;
	v11 =	vadd.f32 v14, v12;
	v12 =	vmul.f32 v20, v17  }
0x8c: {  	v5 =	vmul.f32 v6, v5;
	v7 =	vld.idx.msk [tilespmem:v7+s14+$0x0], $0xffff  }
0x8d: {  	s17 =	simm.s32 $0x10;
	v6 =	vadd.f32 v8, v10;
	v8 =	vadd.f32 v12, v11;
	v10 =	vmul.f32 v18, v15  }
0x8e: {  	v3 =	vmul.f32 v4, v3;
	v11 =	vmov s17  }
0x8f: {  	v4 =	vadd.f32 v5, v6;
	v5 =	vadd.f32 v10, v8;
	v6 =	vmul.f32 v16, v13  }
0x90: {  	v1 =	vmul.f32 v2, v1;
	v8 =	vshll.u32 v11, $0x5  }
0x91: {  	v2 =	vadd.f32 v3, v4;
	v3 =	vadd.f32 v6, v5;
	v4 =	vmul.f32 v7, v9  }
0x92: {  	v7 =	vor.u32 v0, v8  }
0x93: {  	v5 =	vor.u32 $0x1E, v7;
	v1 =	vadd.f32 v1, v2;
	v2 =	vadd.f32 v4, v3;
	_ =	sdelay $0x1  }
0x94: {  	v4 =	vor.u32 $0x1C, v7;
	v1 =	vadd.f32 v2, v1;
	_ =	sdelay $0x1  }
0x95: {  	v6 =	vor.u32 $0x1A, v7;
	[tilespmem:s30+$0x0] =	vst v1  }
0x96: {  	v1 =	vld.idx.msk [tilespmem:v5+s2+$0x0], $0xffff  }
0x97: {  	v9 =	vor.u32 $0x18, v7;
	v2 =	vld.idx.msk [tilespmem:v5+s14+$0x0], $0xffff  }
0x98: {  	v3 =	vld.idx.msk [tilespmem:v4+s2+$0x0], $0xffff  }
0x99: {  	v11 =	vor.u32 $0x16, v7;
	v4 =	vld.idx.msk [tilespmem:v4+s14+$0x0], $0xffff  }
0x9a: {  	v5 =	vld.idx.msk [tilespmem:v6+s2+$0x0], $0xffff  }
0x9b: {  	v13 =	vor.u32 $0x14, v7;
	v6 =	vld.idx.msk [tilespmem:v6+s14+$0x0], $0xffff  }
0x9c: {  	v8 =	vld.idx.msk [tilespmem:v9+s2+$0x0], $0xffff  }
0x9d: {  	v15 =	vor.u32 $0x12, v7;
	v9 =	vld.idx.msk [tilespmem:v9+s14+$0x0], $0xffff  }
0x9e: {  	v10 =	vld.idx.msk [tilespmem:v11+s2+$0x0], $0xffff  }
0x9f: {  	v17 =	vor.u32 $0x10, v7;
	v11 =	vld.idx.msk [tilespmem:v11+s14+$0x0], $0xffff  }
0xa0: {  	v12 =	vld.idx.msk [tilespmem:v13+s2+$0x0], $0xffff  }
0xa1: {  	v19 =	vor.u32 $0xE, v7;
	v13 =	vld.idx.msk [tilespmem:v13+s14+$0x0], $0xffff  }
0xa2: {  	v14 =	vld.idx.msk [tilespmem:v15+s2+$0x0], $0xffff  }
0xa3: {  	v21 =	vor.u32 $0xC, v7;
	v15 =	vld.idx.msk [tilespmem:v15+s14+$0x0], $0xffff  }
0xa4: {  	v16 =	vld.idx.msk [tilespmem:v17+s2+$0x0], $0xffff  }
0xa5: {  	v23 =	vor.u32 $0xA, v7;
	v17 =	vld.idx.msk [tilespmem:v17+s14+$0x0], $0xffff  }
0xa6: {  	v18 =	vld.idx.msk [tilespmem:v19+s2+$0x0], $0xffff  }
0xa7: {  	v25 =	vor.u32 $0x8, v7;
	v19 =	vld.idx.msk [tilespmem:v19+s14+$0x0], $0xffff  }
0xa8: {  	v20 =	vld.idx.msk [tilespmem:v21+s2+$0x0], $0xffff  }
0xa9: {  	v27 =	vor.u32 $0x6, v7;
	v21 =	vld.idx.msk [tilespmem:v21+s14+$0x0], $0xffff  }
0xaa: {  	v22 =	vld.idx.msk [tilespmem:v23+s2+$0x0], $0xffff  }
0xab: {  	v29 =	vor.u32 $0x4, v7;
	v23 =	vld.idx.msk [tilespmem:v23+s14+$0x0], $0xffff  }
0xac: {  	v24 =	vld.idx.msk [tilespmem:v25+s2+$0x0], $0xffff  }
0xad: {  	v30 =	vor.u32 $0x5, v7;
	v25 =	vld.idx.msk [tilespmem:v25+s14+$0x0], $0xffff  }
0xae: {  	v26 =	vld.idx.msk [tilespmem:v27+s2+$0x0], $0xffff  }
0xaf: {  	v31 =	vor.u32 $0x2, v7;
	v27 =	vld.idx.msk [tilespmem:v27+s14+$0x0], $0xffff  }
0xb0: {  	v28 =	vld.idx.msk [tilespmem:v29+s2+$0x0], $0xffff  }
0xb1: {  	s16 =	simm.s32 $0x8800;
	s17 =	simm.s32 $0x20;
	v29 =	vld.idx.msk [tilespmem:v29+s14+$0x0], $0xffff  }
.LBB2_2:
0xb2: {  	p0 =	sne.s32 s17, $0x1F0;
	v32 =	vld.idx.msk [tilespmem:v30+s2+$0x0], $0xffff;
	s0 =	sadd.s32 $0x10, s0  }
0xb3: {  	v34 =	vor.u32 $0x1, v7;
	v33 =	vld [tilespmem:s0+$0x0]  }
0xb4: {  	v35 =	vld.idx.msk [tilespmem:v31+s2+$0x0], $0xffff  }
0xb5: {  	v36 =	vor.u32 $0x3, v7;
	v31 =	vld.idx.msk [tilespmem:v31+s14+$0x0], $0xffff  }
0xb6: {  	v37 =	vld.idx.msk [tilespmem:v7+s2+$0x0], $0xffff  }
0xb7: {  	v38 =	vld.idx.msk [tilespmem:v7+s14+$0x0], $0xffff  }
0xb8: {  	v39 =	vld.idx.msk [tilespmem:v34+s2+$0x0], $0xffff  }
0xb9: {  	v40 =	vor.u32 $0x7, v7;
	v34 =	vld.idx.msk [tilespmem:v34+s14+$0x0], $0xffff  }
0xba: {  	v41 =	vld.idx.msk [tilespmem:v36+s2+$0x0], $0xffff  }
0xbb: {  	v42 =	vor.u32 $0x9, v7;
	s1 =	sadd.s32 $0x10, s1;
	v36 =	vld.idx.msk [tilespmem:v36+s14+$0x0], $0xffff  }
0xbc: {  	v43 =	vld [tilespmem:s1+$0x0]  }
0xbd: {  	v44 =	vor.u32 $0xB, v7;
	v30 =	vld.idx.msk [tilespmem:v30+s14+$0x0], $0xffff  }
0xbe: {  	v45 =	vld.idx.msk [tilespmem:v40+s2+$0x0], $0xffff  }
0xbf: {  	v37 =	vmul.f32 v38, v37;
	v34 =	vmul.f32 v34, v39;
	v39 =	vor.u32 $0xD, v7;
	v38 =	vld.idx.msk [tilespmem:v40+s14+$0x0], $0xffff  }
0xc0: {  	v31 =	vmul.f32 v31, v35;
	v40 =	vor.u32 $0xF, v7;
	v35 =	vld.idx.msk [tilespmem:v42+s2+$0x0], $0xffff  }
0xc1: {  	v33 =	vadd.f32 v37, v33;
	v36 =	vmul.f32 v36, v41;
	v34 =	vadd.f32 v34, v43;
	v37 =	vld.idx.msk [tilespmem:v42+s14+$0x0], $0xffff  }
0xc2: {  	v28 =	vmul.f32 v29, v28;
	v41 =	vor.u32 $0x11, v7;
	v29 =	vld.idx.msk [tilespmem:v44+s2+$0x0], $0xffff  }
0xc3: {  	v31 =	vadd.f32 v31, v33;
	v30 =	vmul.f32 v30, v32;
	v33 =	vadd.f32 v36, v34;
	v32 =	vld.idx.msk [tilespmem:v44+s14+$0x0], $0xffff  }
0xc4: {  	v26 =	vmul.f32 v27, v26;
	v34 =	vor.u32 $0x13, v7;
	v27 =	vld.idx.msk [tilespmem:v39+s2+$0x0], $0xffff  }
0xc5: {  	v28 =	vadd.f32 v28, v31;
	v31 =	vmul.f32 v38, v45;
	v30 =	vadd.f32 v30, v33;
	v33 =	vld.idx.msk [tilespmem:v39+s14+$0x0], $0xffff  }
0xc6: {  	v24 =	vmul.f32 v25, v24;
	v36 =	vor.u32 $0x15, v7;
	v25 =	vld.idx.msk [tilespmem:v40+s2+$0x0], $0xffff  }
0xc7: {  	v26 =	vadd.f32 v26, v28;
	v28 =	vadd.f32 v31, v30;
	v30 =	vmul.f32 v37, v35;
	v31 =	vld.idx.msk [tilespmem:v40+s14+$0x0], $0xffff  }
0xc8: {  	v22 =	vmul.f32 v23, v22;
	v35 =	vor.u32 $0x17, v7;
	v23 =	vld.idx.msk [tilespmem:v41+s2+$0x0], $0xffff  }
0xc9: {  	v24 =	vadd.f32 v24, v26;
	v26 =	vadd.f32 v30, v28;
	v28 =	vmul.f32 v32, v29;
	v29 =	vld.idx.msk [tilespmem:v41+s14+$0x0], $0xffff  }
0xca: {  	v20 =	vmul.f32 v21, v20;
	v30 =	vor.u32 $0x19, v7;
	v21 =	vld.idx.msk [tilespmem:v34+s2+$0x0], $0xffff  }
0xcb: {  	v22 =	vadd.f32 v22, v24;
	v24 =	vadd.f32 v28, v26;
	v26 =	vmul.f32 v33, v27;
	v27 =	vld.idx.msk [tilespmem:v34+s14+$0x0], $0xffff  }
0xcc: {  	v18 =	vmul.f32 v19, v18;
	v28 =	vor.u32 $0x1B, v7;
	v19 =	vld.idx.msk [tilespmem:v36+s2+$0x0], $0xffff  }
0xcd: {  	v20 =	vadd.f32 v20, v22;
	v22 =	vadd.f32 v26, v24;
	v24 =	vmul.f32 v31, v25;
	v25 =	vld.idx.msk [tilespmem:v36+s14+$0x0], $0xffff  }
0xce: {  	v16 =	vmul.f32 v17, v16;
	v26 =	vor.u32 $0x1D, v7;
	v17 =	vld.idx.msk [tilespmem:v35+s2+$0x0], $0xffff  }
0xcf: {  	v18 =	vadd.f32 v18, v20;
	v20 =	vadd.f32 v24, v22;
	v22 =	vmul.f32 v29, v23;
	v23 =	vld.idx.msk [tilespmem:v35+s14+$0x0], $0xffff  }
0xd0: {  	v14 =	vmul.f32 v15, v14;
	v7 =	vor.u32 $0x1F, v7;
	v15 =	vld.idx.msk [tilespmem:v30+s2+$0x0], $0xffff  }
0xd1: {  	v16 =	vadd.f32 v16, v18;
	v18 =	vadd.f32 v22, v20;
	v20 =	vmul.f32 v27, v21;
	v21 =	vld.idx.msk [tilespmem:v30+s14+$0x0], $0xffff  }
0xd2: {  	v12 =	vmul.f32 v13, v12;
	v13 =	vld.idx.msk [tilespmem:v28+s2+$0x0], $0xffff  }
0xd3: {  	v14 =	vadd.f32 v14, v16;
	v16 =	vadd.f32 v20, v18;
	v18 =	vmul.f32 v25, v19;
	v19 =	vld.idx.msk [tilespmem:v28+s14+$0x0], $0xffff  }
0xd4: {  	v10 =	vmul.f32 v11, v10;
	v11 =	vld.idx.msk [tilespmem:v26+s2+$0x0], $0xffff  }
0xd5: {  	v12 =	vadd.f32 v12, v14;
	v14 =	vadd.f32 v18, v16;
	v16 =	vmul.f32 v23, v17;
	v17 =	vld.idx.msk [tilespmem:v26+s14+$0x0], $0xffff  }
0xd6: {  	v8 =	vmul.f32 v9, v8;
	v9 =	vld.idx.msk [tilespmem:v7+s2+$0x0], $0xffff  }
0xd7: {  	v10 =	vadd.f32 v10, v12;
	v12 =	vadd.f32 v16, v14;
	v14 =	vmul.f32 v21, v15;
	v7 =	vld.idx.msk [tilespmem:v7+s14+$0x0], $0xffff  }
0xd8: {  	v5 =	vmul.f32 v6, v5  }
0xd9: {  	v6 =	vadd.f32 v8, v10;
	v10 =	vmul.f32 v19, v13;
	v8 =	vadd.f32 v14, v12  }
0xda: {  	v3 =	vmul.f32 v4, v3;
	v12 =	vmov s17  }
0xdb: {  	v4 =	vadd.f32 v5, v6;
	v6 =	vmul.f32 v17, v11;
	v5 =	vadd.f32 v10, v8  }
0xdc: {  	v1 =	vmul.f32 v2, v1;
	v8 =	vshll.u32 v12, $0x5  }
0xdd: {  	v2 =	vadd.f32 v3, v4;
	v4 =	vmul.f32 v7, v9;
	v3 =	vadd.f32 v6, v5  }
0xde: {  	v7 =	vor.u32 v0, v8  }
0xdf: {  	v1 =	vadd.f32 v1, v2;
	v5 =	vor.u32 $0x1E, v7;
	v2 =	vadd.f32 v4, v3;
	_ =	sdelay $0x1  }
0xe0: {  	v4 =	vor.u32 $0x1C, v7;
	v1 =	vadd.f32 v2, v1  }
0xe1: {  	s16 =	sadd.s32 $0x10, s16  }
0xe2: {  	v6 =	vor.u32 $0x1A, v7;
	[tilespmem:s16+$0x0] =	vst v1  }
0xe3: {  	v1 =	vld.idx.msk [tilespmem:v5+s2+$0x0], $0xffff  }
0xe4: {  	v9 =	vor.u32 $0x18, v7;
	v2 =	vld.idx.msk [tilespmem:v5+s14+$0x0], $0xffff  }
0xe5: {  	v3 =	vld.idx.msk [tilespmem:v4+s2+$0x0], $0xffff  }
0xe6: {  	v11 =	vor.u32 $0x16, v7;
	v4 =	vld.idx.msk [tilespmem:v4+s14+$0x0], $0xffff  }
0xe7: {  	v5 =	vld.idx.msk [tilespmem:v6+s2+$0x0], $0xffff  }
0xe8: {  	v13 =	vor.u32 $0x14, v7;
	v6 =	vld.idx.msk [tilespmem:v6+s14+$0x0], $0xffff  }
0xe9: {  	v8 =	vld.idx.msk [tilespmem:v9+s2+$0x0], $0xffff  }
0xea: {  	v15 =	vor.u32 $0x12, v7;
	v9 =	vld.idx.msk [tilespmem:v9+s14+$0x0], $0xffff  }
0xeb: {  	v10 =	vld.idx.msk [tilespmem:v11+s2+$0x0], $0xffff  }
0xec: {  	v17 =	vor.u32 $0x10, v7;
	v11 =	vld.idx.msk [tilespmem:v11+s14+$0x0], $0xffff  }
0xed: {  	v12 =	vld.idx.msk [tilespmem:v13+s2+$0x0], $0xffff  }
0xee: {  	v19 =	vor.u32 $0xE, v7;
	v13 =	vld.idx.msk [tilespmem:v13+s14+$0x0], $0xffff  }
0xef: {  	v14 =	vld.idx.msk [tilespmem:v15+s2+$0x0], $0xffff  }
0xf0: {  	v21 =	vor.u32 $0xC, v7;
	v15 =	vld.idx.msk [tilespmem:v15+s14+$0x0], $0xffff  }
0xf1: {  	v16 =	vld.idx.msk [tilespmem:v17+s2+$0x0], $0xffff  }
0xf2: {  	v23 =	vor.u32 $0xA, v7;
	v17 =	vld.idx.msk [tilespmem:v17+s14+$0x0], $0xffff  }
0xf3: {  	v18 =	vld.idx.msk [tilespmem:v19+s2+$0x0], $0xffff  }
0xf4: {  	v25 =	vor.u32 $0x8, v7;
	v19 =	vld.idx.msk [tilespmem:v19+s14+$0x0], $0xffff  }
0xf5: {  	v20 =	vld.idx.msk [tilespmem:v21+s2+$0x0], $0xffff  }
0xf6: {  	v27 =	vor.u32 $0x6, v7;
	v21 =	vld.idx.msk [tilespmem:v21+s14+$0x0], $0xffff  }
0xf7: {  	v22 =	vld.idx.msk [tilespmem:v23+s2+$0x0], $0xffff  }
0xf8: {  	v29 =	vor.u32 $0x4, v7;
	v23 =	vld.idx.msk [tilespmem:v23+s14+$0x0], $0xffff  }
0xf9: {  	v24 =	vld.idx.msk [tilespmem:v25+s2+$0x0], $0xffff  }
.Ltmp0:
0xfa: {  	v30 =	vor.u32 $0x5, v7;
	v25 =	vld.idx.msk [tilespmem:v25+s14+$0x0], $0xffff;
	(pc) =	sbr.rel @p0 .LBB2_2-.Ltmp0, $4  }
0xfb: {  	v26 =	vld.idx.msk [tilespmem:v27+s2+$0x0], $0xffff  }
0xfc: {  	v31 =	vor.u32 $0x2, v7;
	v27 =	vld.idx.msk [tilespmem:v27+s14+$0x0], $0xffff  }
0xfd: {  	v28 =	vld.idx.msk [tilespmem:v29+s2+$0x0], $0xffff  }
0xfe: {  	s17 =	sadd.s32 $0x10, s17;
	v29 =	vld.idx.msk [tilespmem:v29+s14+$0x0], $0xffff  }
0xff: {  	_ =	sdelay $0x3  }
0x100: {  	v34 =	vld.idx.msk [tilespmem:v31+s2+$0x0], $0xffff  }
0x101: {  	v33 =	vor.u32 $0x1, v7;
	v57 =	vld.idx.msk [tilespmem:v31+s14+$0x0], $0xffff  }
0x102: {  	v36 =	vld.idx.msk [tilespmem:v7+s2+$0x0], $0xffff  }
0x103: {  	s0 =	sadd.s32 $0x10, s0;
	v35 =	vor.u32 $0x3, v7;
	v37 =	vld.idx.msk [tilespmem:v7+s14+$0x0], $0xffff  }
0x104: {  	s1 =	sadd.s32 $0x10, s1;
	v32 =	vld [tilespmem:s0+$0x0]  }
0x105: {  	v42 =	vld [tilespmem:s1+$0x0]  }
0x106: {  	v38 =	vld.idx.msk [tilespmem:v33+s2+$0x0], $0xffff  }
0x107: {  	v39 =	vor.u32 $0x7, v7;
	v33 =	vld.idx.msk [tilespmem:v33+s14+$0x0], $0xffff  }
0x108: {  	v40 =	vld.idx.msk [tilespmem:v35+s2+$0x0], $0xffff  }
0x109: {  	v41 =	vor.u32 $0x9, v7;
	v35 =	vld.idx.msk [tilespmem:v35+s14+$0x0], $0xffff  }
0x10a: {  	v43 =	vld.idx.msk [tilespmem:v30+s2+$0x0], $0xffff  }
0x10b: {  	v58 =	vld.idx.msk [tilespmem:v30+s14+$0x0], $0xffff;
	v44 =	vor.u32 $0xB, v7  }
0x10c: {  	v45 =	vld.idx.msk [tilespmem:v39+s2+$0x0], $0xffff;
	v36 =	vmul.f32 v37, v36;
	v33 =	vmul.f32 v33, v38  }
0x10d: {  	v60 =	vor.u32 $0xD, v7;
	v59 =	vld.idx.msk [tilespmem:v39+s14+$0x0], $0xffff;
	v31 =	vmul.f32 v57, v34  }
0x10e: {  	v61 =	vld.idx.msk [tilespmem:v41+s2+$0x0], $0xffff;
	v32 =	vadd.f32 v36, v32;
	v35 =	vmul.f32 v35, v40;
	v33 =	vadd.f32 v33, v42  }
0x10f: {  	v62 =	vor.u32 $0xF, v7;
	v28 =	vmul.f32 v29, v28;
	v63 =	vld.idx.msk [tilespmem:v41+s14+$0x0], $0xffff  }
0x110: {  	v30 =	vmul.f32 v58, v43;
	v43 =	vld.idx.msk [tilespmem:v44+s14+$0x0], $0xffff;
	v31 =	vadd.f32 v31, v32;
	v41 =	vadd.f32 v35, v33  }
0x111: {  	v26 =	vmul.f32 v27, v26;
	v40 =	vld.idx.msk [tilespmem:v44+s2+$0x0], $0xffff;
	v42 =	vor.u32 $0x11, v7  }
0x112: {  	v47 =	vld.idx.msk [tilespmem:v60+s14+$0x0], $0xffff;
	v45 =	vmul.f32 v59, v45;
	v28 =	vadd.f32 v28, v31;
	v30 =	vadd.f32 v30, v41  }
0x113: {  	v46 =	vor.u32 $0x13, v7;
	v24 =	vmul.f32 v25, v24;
	v44 =	vld.idx.msk [tilespmem:v60+s2+$0x0], $0xffff  }
0x114: {  	v48 =	vld.idx.msk [tilespmem:v62+s2+$0x0], $0xffff;
	v50 =	vmul.f32 v63, v61;
	v26 =	vadd.f32 v26, v28;
	v49 =	vadd.f32 v45, v30  }
0x115: {  	v51 =	vor.u32 $0x15, v7;
	v22 =	vmul.f32 v23, v22;
	v52 =	vld.idx.msk [tilespmem:v62+s14+$0x0], $0xffff  }
0x116: {  	v24 =	vadd.f32 v24, v26;
	v55 =	vmul.f32 v43, v40;
	v53 =	vld.idx.msk [tilespmem:v42+s2+$0x0], $0xffff;
	v54 =	vadd.f32 v50, v49  }
0x117: {  	v56 =	vor.u32 $0x17, v7;
	v20 =	vmul.f32 v21, v20;
	v57 =	vld.idx.msk [tilespmem:v42+s14+$0x0], $0xffff  }
0x118: {  	v58 =	vld.idx.msk [tilespmem:v46+s2+$0x0], $0xffff;
	v60 =	vmul.f32 v47, v44;
	v22 =	vadd.f32 v22, v24;
	v59 =	vadd.f32 v55, v54  }
0x119: {  	v18 =	vmul.f32 v19, v18;
	v62 =	vld.idx.msk [tilespmem:v46+s14+$0x0], $0xffff;
	v61 =	vor.u32 $0x19, v7  }
0x11a: {  	v63 =	vld.idx.msk [tilespmem:v51+s2+$0x0], $0xffff;
	v33 =	vmul.f32 v52, v48;
	v20 =	vadd.f32 v20, v22;
	v32 =	vadd.f32 v60, v59  }
0x11b: {  	v16 =	vmul.f32 v17, v16;
	v34 =	vor.u32 $0x1B, v7;
	v35 =	vld.idx.msk [tilespmem:v51+s14+$0x0], $0xffff  }
0x11c: {  	v36 =	vld.idx.msk [tilespmem:v56+s2+$0x0], $0xffff;
	v18 =	vadd.f32 v18, v20;
	v38 =	vmul.f32 v57, v53;
	v37 =	vadd.f32 v33, v32  }
0x11d: {  	v14 =	vmul.f32 v15, v14;
	v39 =	vor.u32 $0x1D, v7;
	v40 =	vld.idx.msk [tilespmem:v56+s14+$0x0], $0xffff  }
0x11e: {  	v43 =	vmul.f32 v62, v58;
	v41 =	vld.idx.msk [tilespmem:v61+s2+$0x0], $0xffff;
	v16 =	vadd.f32 v16, v18;
	v42 =	vadd.f32 v38, v37  }
0x11f: {  	v12 =	vmul.f32 v13, v12;
	v44 =	vor.u32 $0x1F, v7;
	v45 =	vld.idx.msk [tilespmem:v61+s14+$0x0], $0xffff  }
0x120: {  	v46 =	vld.idx.msk [tilespmem:v34+s2+$0x0], $0xffff;
	v48 =	vmul.f32 v35, v63;
	v14 =	vadd.f32 v14, v16;
	v47 =	vadd.f32 v43, v42  }
0x121: {  	v10 =	vmul.f32 v11, v10;
	v49 =	vld.idx.msk [tilespmem:v34+s14+$0x0], $0xffff  }
0x122: {  	v50 =	vld.idx.msk [tilespmem:v39+s2+$0x0], $0xffff;
	v52 =	vmul.f32 v40, v36;
	v12 =	vadd.f32 v12, v14;
	v51 =	vadd.f32 v48, v47  }
0x123: {  	v8 =	vmul.f32 v9, v8;
	v53 =	vld.idx.msk [tilespmem:v39+s14+$0x0], $0xffff  }
0x124: {  	v7 =	vld.idx.msk [tilespmem:v44+s14+$0x0], $0xffff;
	v56 =	vmul.f32 v45, v41;
	v10 =	vadd.f32 v10, v12;
	v55 =	vadd.f32 v52, v51  }
0x125: {  	v5 =	vmul.f32 v6, v5;
	v54 =	vld.idx.msk [tilespmem:v44+s2+$0x0], $0xffff  }
0x126: {  	v59 =	vmul.f32 v49, v46;
	v57 =	vadd.f32 v8, v10;
	v58 =	vadd.f32 v56, v55  }
0x127: {  	v3 =	vmul.f32 v4, v3  }
0x128: {  	v62 =	vmul.f32 v53, v50;
	v60 =	vadd.f32 v5, v57;
	v61 =	vadd.f32 v59, v58  }
0x129: {  	v1 =	vmul.f32 v2, v1  }
0x12a: {  	v63 =	vmul.f32 v7, v54;
	v2 =	vadd.f32 v3, v60;
	v3 =	vadd.f32 v62, v61;
	_ =	sdelay $0x1  }
0x12b: {  	v1 =	vadd.f32 v1, v2;
	v2 =	vadd.f32 v63, v3;
	_ =	sdelay $0x1  }
0x12c: {  	s31 =	sadd.s32 $0x1, s31;
	v1 =	vadd.f32 v2, v1  }
0x12d: {  	s17 =	sadd.s32 $0x10, s16;
	p0 =	sne.s32 s31, s10  }
.Ltmp1:
0x12e: {  	[tilespmem:s17+$0x0] =	vst v1;
	(pc) =	sbr.rel @p0 .LBB2_1-.Ltmp1, $4  }
0x12f: {  	[hbm4b:s9+s2] =	stream.linear.scatter [tilespmem:s30], [sflag:$0x2], $0x200, $0x38;
	[tilespmem:$0x8A00] =	vst v63  }
0x130: {  	_ =	swait.ge [sflag:s12], $0x200  }
0x131: {  	[sflag:s12] =	ssyncset.done $0x0  }
0x132: {  	[sflag:s12] =	ssyncadd.s32 $0xFFFFFE00  }
0x133: {  	_ =	sfence.sel $0x180000  }
0x134: {  	[bflag:$0x0] =	sbarrier.arrive $0xFFFF  }
0x135: {  	_ =	strace $0x90000047  }
0x136: {  	s0 =	stileid.u32;
	[bflag:$0x2] =	sbarrier.arrive $0xFFFF  }
0x137: {  	p0 =	sne.s32 s0, $0x0;
	s0 =	rddreg [dreg:$0x4]  }
0x138: {  	s0 =	sadd.s32 @!p0 $0x100000, s0  }
0x139: {  	[sflag:s0] =	ssyncadd.tile.s32 @!p0 $0x1;
	_ =	shalt  }
.Lfunc_end2:
_tile_overlayer_lowered:
.L_overlay_start_2:
0x13a: {  	(tag) =	ssettag $0x2  }
0x13b: {  	s0 =	rddreg [dreg:$0x0];
	s2 =	stileid.u32  }
0x13c: {  	s1 =	rddreg [dreg:$0x1];
	p0 =	sne.s32 s2, $0x0  }
0x13d: {  	s3 =	rddreg [dreg:$0x2];
	[bflag:$0x3] =	sbarrier.arrive $0xFFFF;
	s2 =	simm.s32 @!p0 $0x1C02  }
0x13e: {  	[timem:s3], [sflag:s2] =	dma.local @!p0 [hbm:s0], s1  }
0x13f: {  	s0 =	simm.s32 @!p0 $0x2  }
0x140: {  	_ =	swait.ge @!p0 [sflag:s0], s1  }
0x141: {  	s1 =	ssub.s32 @!p0 $0x0, s1;
	[sflag:s0] =	ssyncset.done @!p0 $0x0  }
0x142: {  	[sflag:s0] =	ssyncadd.s32 @!p0 s1  }
0x143: {  	[bflag:$0x3] =	sbarrier.arrive $0xFFFF  }
0x144: {  	_ =	shalt  }

</sc_bundles>
